<compile_context>
chip_gen: v7x
topology: tpu7x:2x2x1
jax: 0.10.2.dev20260603
libtpu: 0.0.44.dev20260713+nightly
codegen_flags: <defaults>
</compile_context>

<pallas_src>
import functools

import jax
import jax.numpy as jnp
from jax import lax
from jax.experimental import pallas as pl
from jax.experimental.pallas import tpu as pltpu
from jax.experimental.pallas import tpu_sc as plsc

N = 10000
D = 128
E = 320000
NC = 2
NS = 16
K = 64
NCHUNK = 320
EPT = NCHUNK * K
PAD = NS * EPT - E
NP = 10240
RPT = NP // NS



def _dot(a, b):
    return lax.dot_general(a, b, (((1,), (0,)), ((), ())),
                           preferred_element_type=jnp.float32,
                           precision=lax.Precision.HIGHEST)


def _proj_body(x_ref, w_ref, o_ref):
    o_ref[...] = _dot(x_ref[...], w_ref[0])


def _src_projections(x_cat, w_stack):
    nb = N // 1000
    return pl.pallas_call(
        _proj_body,
        grid=(2, nb),
        in_specs=[
            pl.BlockSpec((1000, D), lambda j, i: (j * nb + i, 0)),
            pl.BlockSpec((1, D, D), lambda j, i: (j, 0, 0)),
        ],
        out_specs=pl.BlockSpec((1000, D), lambda j, i: (j * nb + i, 0)),
        out_shape=jax.ShapeDtypeStruct((2 * N, D), jnp.float32),
    )(x_cat, w_stack)


def _combine_body(x_ref, w_ref, s_ref, c_ref, o_ref):
    xw = _dot(x_ref[...], w_ref[0])
    cnt = c_ref[0][:, 0:1]
    mean = s_ref[0] / jnp.maximum(cnt, 1.0)
    o_ref[0] = jnp.maximum(xw + mean, 0.0)


def _combine(x_cat, wt_stack, sums, cnts):
    nb = N // 1000
    return pl.pallas_call(
        _combine_body,
        grid=(2, nb),
        in_specs=[
            pl.BlockSpec((1000, D), lambda j, i: ((1 - j) * nb + i, 0)),
            pl.BlockSpec((1, D, D), lambda j, i: (j, 0, 0)),
            pl.BlockSpec((1, 1000, D), lambda j, i: (j, i, 0)),
            pl.BlockSpec((1, 1000, 16), lambda j, i: (j, i, 0)),
        ],
        out_specs=pl.BlockSpec((1, 1000, D), lambda j, i: (j, i, 0)),
        out_shape=jax.ShapeDtypeStruct((2, N, D), jnp.float32),
    )(x_cat, wt_stack, sums, cnts)



def _sc_body(srcx, idx_h, zr_h,
             sums_o,
             idx_v, rows0_v, rows1_v, acc_sh,
             isem0, isem1, isem2, isem3, gsem0, gsem1):
    c = lax.axis_index("c")
    s = lax.axis_index("s")
    wid = c * NS + s
    isems = (isem0, isem1, isem2, isem3)
    gsems = (gsem0, gsem1)
    rows = (rows0_v, rows1_v)

    def fetch_idx(t, nb):
        pltpu.async_copy(idx_h.at[wid, t], idx_v.at[nb], isems[nb])

    def wait_idx(t, nb):
        pltpu.make_async_copy(idx_h.at[wid, t], idx_v.at[nb], isems[nb]).wait()

    def gather(nb, rb):
        pltpu.async_copy(srcx.at[idx_v.at[nb, 0]], rows[rb], gsems[rb])

    def wait_gather(nb, rb):
        pltpu.make_async_copy(srcx.at[idx_v.at[nb, 0]], rows[rb],
                              gsems[rb]).wait()

    def scatter(nb, rb):
        pltpu.sync_copy(rows[rb], acc_sh.at[idx_v.at[nb, 1]], add=True)

    pltpu.sync_copy(zr_h, acc_sh.at[pl.ds(s * RPT, RPT)])
    plsc.subcore_barrier()

    def step(jj, carry):
        j = jj * 2
        fetch_idx(j, 0)
        fetch_idx(j + 1, 1)
        wait_idx(j, 0)
        gather(0, 0)
        wait_idx(j + 1, 1)
        gather(1, 1)
        wait_gather(0, 0)
        scatter(0, 0)
        wait_gather(1, 1)
        scatter(1, 1)
        return carry

    lax.fori_loop(0, NCHUNK // 2, step, 0)
    plsc.subcore_barrier()

    for r in range(RPT // K):
        base = s * RPT + r * K
        pltpu.sync_copy(acc_sh.at[pl.ds(base, K)], rows0_v)
        pltpu.sync_copy(rows0_v, sums_o.at[c, pl.ds(base, K)])


@functools.cache
def _sc_aggregate():
    return pl.kernel(
        _sc_body,
        out_type=jax.ShapeDtypeStruct((2, NP, D), jnp.float32),
        mesh=plsc.VectorSubcoreMesh(core_axis_name="c", subcore_axis_name="s",
                                    num_cores=NC, num_subcores=NS),
        scratch_types=[
            pltpu.VMEM((2, 2, K), jnp.int32),
            pltpu.VMEM((K, D), jnp.float32),
            pltpu.VMEM((K, D), jnp.float32),
            pltpu.VMEM_SHARED((NP, D), jnp.float32),
            pltpu.SemaphoreType.DMA,
            pltpu.SemaphoreType.DMA,
            pltpu.SemaphoreType.DMA,
            pltpu.SemaphoreType.DMA,
            pltpu.SemaphoreType.DMA,
            pltpu.SemaphoreType.DMA,
        ],
    )



@jax.jit
def kernel(x_user, x_item, W_u2i_src, W_u2i_tgt, W_i2u_src, W_i2u_tgt,
           edge_index_u2i, edge_index_i2u):
    x_cat = jnp.concatenate([x_user, x_item], axis=0)
    w_src = jnp.stack([W_u2i_src, W_i2u_src])
    w_tgt = jnp.stack([W_u2i_tgt, W_i2u_tgt])

    srcx = _src_projections(x_cat, w_src)

    spad = jnp.zeros((PAD,), jnp.int32)
    dpad = jnp.full((PAD,), N, jnp.int32)
    sidx = jnp.concatenate([
        jnp.concatenate([edge_index_u2i[0], spad]).reshape(NS, NCHUNK, K),
        jnp.concatenate([edge_index_i2u[0] + N, spad]).reshape(NS, NCHUNK, K),
    ], axis=0)
    didx = jnp.concatenate([
        jnp.concatenate([edge_index_u2i[1], dpad]).reshape(NS, NCHUNK, K),
        jnp.concatenate([edge_index_i2u[1], dpad]).reshape(NS, NCHUNK, K),
    ], axis=0)
    idx = jnp.stack([sidx, didx], axis=2)

    zr = jnp.zeros((RPT, D), jnp.float32)

    sums = _sc_aggregate()(srcx, idx, zr)
    ones_e = jnp.ones((E,), jnp.float32)
    cnt2 = jnp.stack([
        jax.ops.segment_sum(ones_e, edge_index_u2i[1], num_segments=NP),
        jax.ops.segment_sum(ones_e, edge_index_i2u[1], num_segments=NP),
    ])
    cnts = jnp.broadcast_to(cnt2[:, :, None], (2, NP, 16))
    out = _combine(x_cat, w_tgt, sums, cnts)
    return out[1], out[0]

# --- scband reference (transcript-rebuilt; emitter-appended) ---
"""Pipeline reference for scband-hetero-sageconv-59854664237622 (READ-ONLY COPY).

The authoritative reference and input builder live on the scoring server;
editing this copy changes nothing except your own understanding.
"""

import jax, jax.numpy as jnp
import numpy as np

N_USER = 10000
N_ITEM = 10000
D = 128
H = 128
E = 320000

def _glorot(key, shape):
    a = jnp.sqrt(6.0 / (shape[0] + shape[1]))
    return jax.random.uniform(key, shape, jnp.float32, -a, a)

def _scatter_mean(src, idx, n):
    s = jax.ops.segment_sum(src, idx, num_segments=n)
    cnt = jax.ops.segment_sum(jnp.ones((src.shape[0],), src.dtype), idx, num_segments=n)
    return s / jnp.maximum(cnt, 1.0)[:, None]

def setup_inputs(seed: int = 0):
    key = jax.random.key(seed)
    ks = jax.random.split(key, 8)
    return {
        "x_user": jax.random.normal(ks[0], (N_USER, D), jnp.float32),
        "x_item": jax.random.normal(ks[1], (N_ITEM, D), jnp.float32),
        "W_u2i_src": _glorot(ks[2], (D, H)),
        "W_u2i_tgt": _glorot(ks[3], (D, H)),
        "W_i2u_src": _glorot(ks[4], (D, H)),
        "W_i2u_tgt": _glorot(ks[5], (D, H)),
        "edge_index_u2i": jax.random.randint(ks[6], (2, E), 0, N_ITEM, dtype=jnp.int32),
        "edge_index_i2u": jax.random.randint(ks[7], (2, E), 0, N_USER, dtype=jnp.int32),
    }

def reference(x_user, x_item, W_u2i_src, W_u2i_tgt, W_i2u_src, W_i2u_tgt, edge_index_u2i, edge_index_i2u):
    # div counts: each node type is target of exactly one edge type
    div_user = 1.0
    div_item = 1.0
    # edge type ('user','to','item')
    src_x = x_user @ W_u2i_src
    tgt_x = x_item @ W_u2i_tgt
    out_item = tgt_x + _scatter_mean(src_x[edge_index_u2i[0]], edge_index_u2i[1], N_ITEM)
    # edge type ('item','rev_to','user')
    src_x2 = x_item @ W_i2u_src
    tgt_x2 = x_user @ W_i2u_tgt
    out_user = tgt_x2 + _scatter_mean(src_x2[edge_index_i2u[0]], edge_index_i2u[1], N_USER)
    # divide by div, relu; original applies relu twice (idempotent)
    out_user = jax.nn.relu(jax.nn.relu(out_user / div_user))
    out_item = jax.nn.relu(jax.nn.relu(out_item / div_item))
    return (out_user, out_item)

if __name__ == "__main__":
    import jax
    _d = setup_inputs()
    print(jax.jit(kernel)(*tuple(_d.values())))

</pallas_src>

<mosaic_0001>
#map = affine_map<(d0, d1) -> (0, 0)>
#map1 = affine_map<(d0, d1) -> (0, 0, 0, 0)>
#map2 = affine_map<(d0, d1) -> (0, 0, 0)>
module attributes {stable_mosaic.version = 14 : i64} {
  func.func @_sc_body(%arg0: i32, %arg1: i32, %arg2: memref<20000x128xf32, #tpu.memory_space<hbm>>, %arg3: memref<32x320x2x64xi32, #tpu.memory_space<hbm>>, %arg4: memref<640x128xf32, #tpu.memory_space<hbm>>, %arg5: memref<2x10240x128xf32, #tpu.memory_space<hbm>>, %arg6: memref<2x2x64xi32, #tpu.memory_space<vmem>>, %arg7: memref<64x128xf32, #tpu.memory_space<vmem>>, %arg8: memref<64x128xf32, #tpu.memory_space<vmem>>, %arg9: memref<10240x128xf32, #tpu.memory_space<vmem_shared>>, %arg10: memref<!tpu.dma_semaphore, #tpu.memory_space<semaphore_mem>>, %arg11: memref<!tpu.dma_semaphore, #tpu.memory_space<semaphore_mem>>, %arg12: memref<!tpu.dma_semaphore, #tpu.memory_space<semaphore_mem>>, %arg13: memref<!tpu.dma_semaphore, #tpu.memory_space<semaphore_mem>>, %arg14: memref<!tpu.dma_semaphore, #tpu.memory_space<semaphore_mem>>, %arg15: memref<!tpu.dma_semaphore, #tpu.memory_space<semaphore_mem>>) attributes {dimension_semantics = [#tpu.dimension_semantics<core_parallel>, #tpu.dimension_semantics<subcore_parallel>], iteration_bounds = array<i64: 2, 16>, scalar_prefetch = 0 : i64, scratch_operands = 10 : i64, tpu.core_type = #tpu.core_type<sc_vector_subcore>, window_params = [{transform_indices = #map}, {transform_indices = #map1}, {transform_indices = #map}, {transform_indices = #map2}]} {
    %mul3A = arith.constant 16 : i32
    %mul3A_0 = arith.muli %arg0, %mul3A : i32
    %add3A = arith.addi %mul3A_0, %arg1 : i32
    %mul3A_1 = arith.constant 640 : i32
    %mul3A_2 = arith.muli %arg1, %mul3A_1 : i32
    "tpu.region"() ({
      %run_scoped3A = tpu.sem_alloc : memref<!tpu.dma_semaphore, #tpu.memory_space<semaphore_mem>>
      %dma_start3A = arith.constant 0 : i32
      %dma_start3A_49 = tpu.memref_slice %arg9[%mul3A_2, %dma_start3A] : memref<10240x128xf32, #tpu.memory_space<vmem_shared>> -> memref<640x128xf32, #tpu.memory_space<vmem_shared>>
      tpu.enqueue_dma source(%arg4 : memref<640x128xf32, #tpu.memory_space<hbm>>) target(%dma_start3A_49 : memref<640x128xf32, #tpu.memory_space<vmem_shared>>) target_semaphore(%run_scoped3A : memref<!tpu.dma_semaphore, #tpu.memory_space<semaphore_mem>>)
      %dma_wait3A = arith.constant 0 : i32
      %dma_wait3A_50 = tpu.memref_slice %arg9[%mul3A_2, %dma_wait3A] : memref<10240x128xf32, #tpu.memory_space<vmem_shared>> -> memref<640x128xf32, #tpu.memory_space<vmem_shared>>
      tpu.wait_dma2 semaphore(%run_scoped3A : memref<!tpu.dma_semaphore, #tpu.memory_space<semaphore_mem>>) src(%arg4 : memref<640x128xf32, #tpu.memory_space<hbm>>) dst(%dma_wait3A_50 : memref<640x128xf32, #tpu.memory_space<vmem_shared>>)
      tpu.yield
    }) : () -> ()
    %barrier3A = arith.constant 0 : index
    tpu.barrier barrier_id(%barrier3A)
    %scan3A = arith.constant 0 : i32
    %scan3A_3 = arith.constant 0 : i32
    %scan3A_4 = arith.constant 160 : i32
    %scan3A_5 = arith.addi %scan3A_3, %scan3A_4 : i32
    %scan3A_6 = arith.constant 1 : i32
    scf.for %scan3A_49 = %scan3A_3 to %scan3A_5 step %scan3A_6  : i32 {
      %mul3A_50 = arith.constant 2 : i32
      %mul3A_51 = arith.muli %scan3A_49, %mul3A_50 : i32
      %dma_start3A = arith.constant 0 : i32
      %dma_start3A_52 = arith.constant 0 : i32
      %dma_start3A_53 = arith.constant 0 : i32
      %dma_start3A_54 = tpu.memref_slice %arg6[%dma_start3A, %dma_start3A_52, %dma_start3A_53] : memref<2x2x64xi32, #tpu.memory_space<vmem>> -> memref<1x2x64xi32, #tpu.memory_space<vmem>>
      %dma_start3A_55 = tpu.memref_squeeze %dma_start3A_54 : memref<1x2x64xi32, #tpu.memory_space<vmem>> -> memref<2x64xi32, #tpu.memory_space<vmem>>
      %dma_start3A_56 = arith.constant 0 : i32
      %dma_start3A_57 = arith.constant 0 : i32
      %dma_start3A_58 = tpu.memref_slice %arg3[%add3A, %mul3A_51, %dma_start3A_56, %dma_start3A_57] : memref<32x320x2x64xi32, #tpu.memory_space<hbm>> -> memref<1x1x2x64xi32, #tpu.memory_space<hbm>>
      %dma_start3A_59 = tpu.memref_squeeze %dma_start3A_58 : memref<1x1x2x64xi32, #tpu.memory_space<hbm>> -> memref<2x64xi32, #tpu.memory_space<hbm>>
      %dma_start3A_60 = arith.constant 0 : i32
      %dma_start3A_61 = arith.constant 0 : i32
      %dma_start3A_62 = tpu.memref_slice %arg6[%dma_start3A, %dma_start3A_60, %dma_start3A_61] : memref<2x2x64xi32, #tpu.memory_space<vmem>> -> memref<1x2x64xi32, #tpu.memory_space<vmem>>
      %dma_start3A_63 = tpu.memref_squeeze %dma_start3A_62 : memref<1x2x64xi32, #tpu.memory_space<vmem>> -> memref<2x64xi32, #tpu.memory_space<vmem>>
      %dma_start3A_64 = arith.constant 0 : i32
      %dma_start3A_65 = arith.constant 0 : i32
      %dma_start3A_66 = tpu.memref_slice %arg3[%add3A, %mul3A_51, %dma_start3A_64, %dma_start3A_65] : memref<32x320x2x64xi32, #tpu.memory_space<hbm>> -> memref<1x1x2x64xi32, #tpu.memory_space<hbm>>
      %dma_start3A_67 = tpu.memref_squeeze %dma_start3A_66 : memref<1x1x2x64xi32, #tpu.memory_space<hbm>> -> memref<2x64xi32, #tpu.memory_space<hbm>>
      tpu.enqueue_dma source(%dma_start3A_67 : memref<2x64xi32, #tpu.memory_space<hbm>>) target(%dma_start3A_63 : memref<2x64xi32, #tpu.memory_space<vmem>>) target_semaphore(%arg10 : memref<!tpu.dma_semaphore, #tpu.memory_space<semaphore_mem>>)
      %add3A_68 = arith.constant 1 : i32
      %add3A_69 = arith.addi %mul3A_51, %add3A_68 : i32
      %dma_start3A_70 = arith.constant 1 : i32
      %dma_start3A_71 = arith.constant 0 : i32
      %dma_start3A_72 = arith.constant 0 : i32
      %dma_start3A_73 = tpu.memref_slice %arg6[%dma_start3A_70, %dma_start3A_71, %dma_start3A_72] : memref<2x2x64xi32, #tpu.memory_space<vmem>> -> memref<1x2x64xi32, #tpu.memory_space<vmem>>
      %dma_start3A_74 = tpu.memref_squeeze %dma_start3A_73 : memref<1x2x64xi32, #tpu.memory_space<vmem>> -> memref<2x64xi32, #tpu.memory_space<vmem>>
      %dma_start3A_75 = arith.constant 0 : i32
      %dma_start3A_76 = arith.constant 0 : i32
      %dma_start3A_77 = tpu.memref_slice %arg3[%add3A, %add3A_69, %dma_start3A_75, %dma_start3A_76] : memref<32x320x2x64xi32, #tpu.memory_space<hbm>> -> memref<1x1x2x64xi32, #tpu.memory_space<hbm>>
      %dma_start3A_78 = tpu.memref_squeeze %dma_start3A_77 : memref<1x1x2x64xi32, #tpu.memory_space<hbm>> -> memref<2x64xi32, #tpu.memory_space<hbm>>
      %dma_start3A_79 = arith.constant 0 : i32
      %dma_start3A_80 = arith.constant 0 : i32
      %dma_start3A_81 = tpu.memref_slice %arg6[%dma_start3A_70, %dma_start3A_79, %dma_start3A_80] : memref<2x2x64xi32, #tpu.memory_space<vmem>> -> memref<1x2x64xi32, #tpu.memory_space<vmem>>
      %dma_start3A_82 = tpu.memref_squeeze %dma_start3A_81 : memref<1x2x64xi32, #tpu.memory_space<vmem>> -> memref<2x64xi32, #tpu.memory_space<vmem>>
      %dma_start3A_83 = arith.constant 0 : i32
      %dma_start3A_84 = arith.constant 0 : i32
      %dma_start3A_85 = tpu.memref_slice %arg3[%add3A, %add3A_69, %dma_start3A_83, %dma_start3A_84] : memref<32x320x2x64xi32, #tpu.memory_space<hbm>> -> memref<1x1x2x64xi32, #tpu.memory_space<hbm>>
      %dma_start3A_86 = tpu.memref_squeeze %dma_start3A_85 : memref<1x1x2x64xi32, #tpu.memory_space<hbm>> -> memref<2x64xi32, #tpu.memory_space<hbm>>
      tpu.enqueue_dma source(%dma_start3A_86 : memref<2x64xi32, #tpu.memory_space<hbm>>) target(%dma_start3A_82 : memref<2x64xi32, #tpu.memory_space<vmem>>) target_semaphore(%arg11 : memref<!tpu.dma_semaphore, #tpu.memory_space<semaphore_mem>>)
      %dma_wait3A = arith.constant 0 : i32
      %dma_wait3A_87 = arith.constant 0 : i32
      %dma_wait3A_88 = arith.constant 0 : i32
      %dma_wait3A_89 = tpu.memref_slice %arg6[%dma_wait3A, %dma_wait3A_87, %dma_wait3A_88] : memref<2x2x64xi32, #tpu.memory_space<vmem>> -> memref<1x2x64xi32, #tpu.memory_space<vmem>>
      %dma_wait3A_90 = tpu.memref_squeeze %dma_wait3A_89 : memref<1x2x64xi32, #tpu.memory_space<vmem>> -> memref<2x64xi32, #tpu.memory_space<vmem>>
      %dma_wait3A_91 = arith.constant 0 : i32
      %dma_wait3A_92 = arith.constant 0 : i32
      %dma_wait3A_93 = tpu.memref_slice %arg3[%add3A, %mul3A_51, %dma_wait3A_91, %dma_wait3A_92] : memref<32x320x2x64xi32, #tpu.memory_space<hbm>> -> memref<1x1x2x64xi32, #tpu.memory_space<hbm>>
      %dma_wait3A_94 = tpu.memref_squeeze %dma_wait3A_93 : memref<1x1x2x64xi32, #tpu.memory_space<hbm>> -> memref<2x64xi32, #tpu.memory_space<hbm>>
      %dma_wait3A_95 = arith.constant 0 : i32
      %dma_wait3A_96 = arith.constant 0 : i32
      %dma_wait3A_97 = tpu.memref_slice %arg6[%dma_wait3A, %dma_wait3A_95, %dma_wait3A_96] : memref<2x2x64xi32, #tpu.memory_space<vmem>> -> memref<1x2x64xi32, #tpu.memory_space<vmem>>
      %dma_wait3A_98 = tpu.memref_squeeze %dma_wait3A_97 : memref<1x2x64xi32, #tpu.memory_space<vmem>> -> memref<2x64xi32, #tpu.memory_space<vmem>>
      %dma_wait3A_99 = arith.constant 0 : i32
      %dma_wait3A_100 = arith.constant 0 : i32
      %dma_wait3A_101 = tpu.memref_slice %arg3[%add3A, %mul3A_51, %dma_wait3A_99, %dma_wait3A_100] : memref<32x320x2x64xi32, #tpu.memory_space<hbm>> -> memref<1x1x2x64xi32, #tpu.memory_space<hbm>>
      %dma_wait3A_102 = tpu.memref_squeeze %dma_wait3A_101 : memref<1x1x2x64xi32, #tpu.memory_space<hbm>> -> memref<2x64xi32, #tpu.memory_space<hbm>>
      tpu.wait_dma2 semaphore(%arg10 : memref<!tpu.dma_semaphore, #tpu.memory_space<semaphore_mem>>) src(%dma_wait3A_102 : memref<2x64xi32, #tpu.memory_space<hbm>>) dst(%dma_wait3A_98 : memref<2x64xi32, #tpu.memory_space<vmem>>)
      %dma_start3A_103 = arith.constant 0 : i32
      %dma_start3A_104 = arith.constant 0 : i32
      %dma_start3A_105 = arith.constant 0 : i32
      %dma_start3A_106 = tpu.memref_slice %arg6[%dma_start3A_103, %dma_start3A_104, %dma_start3A_105] : memref<2x2x64xi32, #tpu.memory_space<vmem>> -> memref<1x1x64xi32, #tpu.memory_space<vmem>>
      %dma_start3A_107 = tpu.memref_squeeze %dma_start3A_106 : memref<1x1x64xi32, #tpu.memory_space<vmem>> -> memref<64xi32, #tpu.memory_space<vmem>>
      %dma_start3A_108 = arith.constant 0 : i32
      %dma_start3A_109 = arith.constant 0 : i32
      %dma_start3A_110 = tpu.memref_slice %arg2[%dma_start3A_108, %dma_start3A_109] : memref<20000x128xf32, #tpu.memory_space<hbm>> -> memref<20000x128xf32, #tpu.memory_space<hbm>>
      tpu.enqueue_indirect_dma source(%dma_start3A_110 : memref<20000x128xf32, #tpu.memory_space<hbm>>) target(%arg7 : memref<64x128xf32, #tpu.memory_space<vmem>>) offsets(%dma_start3A_107 : memref<64xi32, #tpu.memory_space<vmem>>) semaphore(%arg14 : memref<!tpu.dma_semaphore, #tpu.memory_space<semaphore_mem>>)
      %add3A_111 = arith.constant 1 : i32
      %add3A_112 = arith.addi %mul3A_51, %add3A_111 : i32
      %dma_wait3A_113 = arith.constant 1 : i32
      %dma_wait3A_114 = arith.constant 0 : i32
      %dma_wait3A_115 = arith.constant 0 : i32
      %dma_wait3A_116 = tpu.memref_slice %arg6[%dma_wait3A_113, %dma_wait3A_114, %dma_wait3A_115] : memref<2x2x64xi32, #tpu.memory_space<vmem>> -> memref<1x2x64xi32, #tpu.memory_space<vmem>>
      %dma_wait3A_117 = tpu.memref_squeeze %dma_wait3A_116 : memref<1x2x64xi32, #tpu.memory_space<vmem>> -> memref<2x64xi32, #tpu.memory_space<vmem>>
      %dma_wait3A_118 = arith.constant 0 : i32
      %dma_wait3A_119 = arith.constant 0 : i32
      %dma_wait3A_120 = tpu.memref_slice %arg3[%add3A, %add3A_112, %dma_wait3A_118, %dma_wait3A_119] : memref<32x320x2x64xi32, #tpu.memory_space<hbm>> -> memref<1x1x2x64xi32, #tpu.memory_space<hbm>>
      %dma_wait3A_121 = tpu.memref_squeeze %dma_wait3A_120 : memref<1x1x2x64xi32, #tpu.memory_space<hbm>> -> memref<2x64xi32, #tpu.memory_space<hbm>>
      %dma_wait3A_122 = arith.constant 0 : i32
      %dma_wait3A_123 = arith.constant 0 : i32
      %dma_wait3A_124 = tpu.memref_slice %arg6[%dma_wait3A_113, %dma_wait3A_122, %dma_wait3A_123] : memref<2x2x64xi32, #tpu.memory_space<vmem>> -> memref<1x2x64xi32, #tpu.memory_space<vmem>>
      %dma_wait3A_125 = tpu.memref_squeeze %dma_wait3A_124 : memref<1x2x64xi32, #tpu.memory_space<vmem>> -> memref<2x64xi32, #tpu.memory_space<vmem>>
      %dma_wait3A_126 = arith.constant 0 : i32
      %dma_wait3A_127 = arith.constant 0 : i32
      %dma_wait3A_128 = tpu.memref_slice %arg3[%add3A, %add3A_112, %dma_wait3A_126, %dma_wait3A_127] : memref<32x320x2x64xi32, #tpu.memory_space<hbm>> -> memref<1x1x2x64xi32, #tpu.memory_space<hbm>>
      %dma_wait3A_129 = tpu.memref_squeeze %dma_wait3A_128 : memref<1x1x2x64xi32, #tpu.memory_space<hbm>> -> memref<2x64xi32, #tpu.memory_space<hbm>>
      tpu.wait_dma2 semaphore(%arg11 : memref<!tpu.dma_semaphore, #tpu.memory_space<semaphore_mem>>) src(%dma_wait3A_129 : memref<2x64xi32, #tpu.memory_space<hbm>>) dst(%dma_wait3A_125 : memref<2x64xi32, #tpu.memory_space<vmem>>)
      %dma_start3A_130 = arith.constant 1 : i32
      %dma_start3A_131 = arith.constant 0 : i32
      %dma_start3A_132 = arith.constant 0 : i32
      %dma_start3A_133 = tpu.memref_slice %arg6[%dma_start3A_130, %dma_start3A_131, %dma_start3A_132] : memref<2x2x64xi32, #tpu.memory_space<vmem>> -> memref<1x1x64xi32, #tpu.memory_space<vmem>>
      %dma_start3A_134 = tpu.memref_squeeze %dma_start3A_133 : memref<1x1x64xi32, #tpu.memory_space<vmem>> -> memref<64xi32, #tpu.memory_space<vmem>>
      %dma_start3A_135 = arith.constant 0 : i32
      %dma_start3A_136 = arith.constant 0 : i32
      %dma_start3A_137 = tpu.memref_slice %arg2[%dma_start3A_135, %dma_start3A_136] : memref<20000x128xf32, #tpu.memory_space<hbm>> -> memref<20000x128xf32, #tpu.memory_space<hbm>>
      tpu.enqueue_indirect_dma source(%dma_start3A_137 : memref<20000x128xf32, #tpu.memory_space<hbm>>) target(%arg8 : memref<64x128xf32, #tpu.memory_space<vmem>>) offsets(%dma_start3A_134 : memref<64xi32, #tpu.memory_space<vmem>>) semaphore(%arg15 : memref<!tpu.dma_semaphore, #tpu.memory_space<semaphore_mem>>)
      %dma_wait3A_138 = arith.constant 0 : i32
      %dma_wait3A_139 = arith.constant 0 : i32
      %dma_wait3A_140 = arith.constant 0 : i32
      %dma_wait3A_141 = tpu.memref_slice %arg6[%dma_wait3A_138, %dma_wait3A_139, %dma_wait3A_140] : memref<2x2x64xi32, #tpu.memory_space<vmem>> -> memref<1x1x64xi32, #tpu.memory_space<vmem>>
      %dma_wait3A_142 = tpu.memref_squeeze %dma_wait3A_141 : memref<1x1x64xi32, #tpu.memory_space<vmem>> -> memref<64xi32, #tpu.memory_space<vmem>>
      %dma_wait3A_143 = arith.constant 0 : i32
      %dma_wait3A_144 = arith.constant 0 : i32
      %dma_wait3A_145 = tpu.memref_slice %arg2[%dma_wait3A_143, %dma_wait3A_144] : memref<20000x128xf32, #tpu.memory_space<hbm>> -> memref<20000x128xf32, #tpu.memory_space<hbm>>
      tpu.wait_indirect_dma semaphore(%arg14 : memref<!tpu.dma_semaphore, #tpu.memory_space<semaphore_mem>>) src(%dma_wait3A_145 : memref<20000x128xf32, #tpu.memory_space<hbm>>) dst(%arg7 : memref<64x128xf32, #tpu.memory_space<vmem>>)
      %run_scoped3A = arith.constant 0 : i32
      %run_scoped3A_146 = arith.constant 1 : i32
      "tpu.region"() ({
        %run_scoped3A_157 = tpu.sem_alloc : memref<!tpu.dma_semaphore, #tpu.memory_space<semaphore_mem>>
        %dma_start3A_158 = arith.constant 0 : i32
        %dma_start3A_159 = tpu.memref_slice %arg6[%run_scoped3A, %run_scoped3A_146, %dma_start3A_158] : memref<2x2x64xi32, #tpu.memory_space<vmem>> -> memref<1x1x64xi32, #tpu.memory_space<vmem>>
        %dma_start3A_160 = tpu.memref_squeeze %dma_start3A_159 : memref<1x1x64xi32, #tpu.memory_space<vmem>> -> memref<64xi32, #tpu.memory_space<vmem>>
        %dma_start3A_161 = arith.constant 0 : i32
        %dma_start3A_162 = arith.constant 0 : i32
        %dma_start3A_163 = tpu.memref_slice %arg9[%dma_start3A_161, %dma_start3A_162] : memref<10240x128xf32, #tpu.memory_space<vmem_shared>> -> memref<10240x128xf32, #tpu.memory_space<vmem_shared>>
        tpu.enqueue_indirect_dma source(%arg7 : memref<64x128xf32, #tpu.memory_space<vmem>>) target(%dma_start3A_163 : memref<10240x128xf32, #tpu.memory_space<vmem_shared>>) offsets(%dma_start3A_160 : memref<64xi32, #tpu.memory_space<vmem>>) semaphore(%run_scoped3A_157 : memref<!tpu.dma_semaphore, #tpu.memory_space<semaphore_mem>>) {add = true}
        %dma_wait3A_164 = arith.constant 0 : i32
        %dma_wait3A_165 = tpu.memref_slice %arg6[%run_scoped3A, %run_scoped3A_146, %dma_wait3A_164] : memref<2x2x64xi32, #tpu.memory_space<vmem>> -> memref<1x1x64xi32, #tpu.memory_space<vmem>>
        %dma_wait3A_166 = tpu.memref_squeeze %dma_wait3A_165 : memref<1x1x64xi32, #tpu.memory_space<vmem>> -> memref<64xi32, #tpu.memory_space<vmem>>
        %dma_wait3A_167 = arith.constant 0 : i32
        %dma_wait3A_168 = arith.constant 0 : i32
        %dma_wait3A_169 = tpu.memref_slice %arg9[%dma_wait3A_167, %dma_wait3A_168] : memref<10240x128xf32, #tpu.memory_space<vmem_shared>> -> memref<10240x128xf32, #tpu.memory_space<vmem_shared>>
        tpu.wait_indirect_dma semaphore(%run_scoped3A_157 : memref<!tpu.dma_semaphore, #tpu.memory_space<semaphore_mem>>) src(%arg7 : memref<64x128xf32, #tpu.memory_space<vmem>>) dst(%dma_wait3A_169 : memref<10240x128xf32, #tpu.memory_space<vmem_shared>>)
        tpu.yield
      }) : () -> ()
      %dma_wait3A_147 = arith.constant 1 : i32
      %dma_wait3A_148 = arith.constant 0 : i32
      %dma_wait3A_149 = arith.constant 0 : i32
      %dma_wait3A_150 = tpu.memref_slice %arg6[%dma_wait3A_147, %dma_wait3A_148, %dma_wait3A_149] : memref<2x2x64xi32, #tpu.memory_space<vmem>> -> memref<1x1x64xi32, #tpu.memory_space<vmem>>
      %dma_wait3A_151 = tpu.memref_squeeze %dma_wait3A_150 : memref<1x1x64xi32, #tpu.memory_space<vmem>> -> memref<64xi32, #tpu.memory_space<vmem>>
      %dma_wait3A_152 = arith.constant 0 : i32
      %dma_wait3A_153 = arith.constant 0 : i32
      %dma_wait3A_154 = tpu.memref_slice %arg2[%dma_wait3A_152, %dma_wait3A_153] : memref<20000x128xf32, #tpu.memory_space<hbm>> -> memref<20000x128xf32, #tpu.memory_space<hbm>>
      tpu.wait_indirect_dma semaphore(%arg15 : memref<!tpu.dma_semaphore, #tpu.memory_space<semaphore_mem>>) src(%dma_wait3A_154 : memref<20000x128xf32, #tpu.memory_space<hbm>>) dst(%arg8 : memref<64x128xf32, #tpu.memory_space<vmem>>)
      %run_scoped3A_155 = arith.constant 1 : i32
      %run_scoped3A_156 = arith.constant 1 : i32
      "tpu.region"() ({
        %run_scoped3A_157 = tpu.sem_alloc : memref<!tpu.dma_semaphore, #tpu.memory_space<semaphore_mem>>
        %dma_start3A_158 = arith.constant 0 : i32
        %dma_start3A_159 = tpu.memref_slice %arg6[%run_scoped3A_155, %run_scoped3A_156, %dma_start3A_158] : memref<2x2x64xi32, #tpu.memory_space<vmem>> -> memref<1x1x64xi32, #tpu.memory_space<vmem>>
        %dma_start3A_160 = tpu.memref_squeeze %dma_start3A_159 : memref<1x1x64xi32, #tpu.memory_space<vmem>> -> memref<64xi32, #tpu.memory_space<vmem>>
        %dma_start3A_161 = arith.constant 0 : i32
        %dma_start3A_162 = arith.constant 0 : i32
        %dma_start3A_163 = tpu.memref_slice %arg9[%dma_start3A_161, %dma_start3A_162] : memref<10240x128xf32, #tpu.memory_space<vmem_shared>> -> memref<10240x128xf32, #tpu.memory_space<vmem_shared>>
        tpu.enqueue_indirect_dma source(%arg8 : memref<64x128xf32, #tpu.memory_space<vmem>>) target(%dma_start3A_163 : memref<10240x128xf32, #tpu.memory_space<vmem_shared>>) offsets(%dma_start3A_160 : memref<64xi32, #tpu.memory_space<vmem>>) semaphore(%run_scoped3A_157 : memref<!tpu.dma_semaphore, #tpu.memory_space<semaphore_mem>>) {add = true}
        %dma_wait3A_164 = arith.constant 0 : i32
        %dma_wait3A_165 = tpu.memref_slice %arg6[%run_scoped3A_155, %run_scoped3A_156, %dma_wait3A_164] : memref<2x2x64xi32, #tpu.memory_space<vmem>> -> memref<1x1x64xi32, #tpu.memory_space<vmem>>
        %dma_wait3A_166 = tpu.memref_squeeze %dma_wait3A_165 : memref<1x1x64xi32, #tpu.memory_space<vmem>> -> memref<64xi32, #tpu.memory_space<vmem>>
        %dma_wait3A_167 = arith.constant 0 : i32
        %dma_wait3A_168 = arith.constant 0 : i32
        %dma_wait3A_169 = tpu.memref_slice %arg9[%dma_wait3A_167, %dma_wait3A_168] : memref<10240x128xf32, #tpu.memory_space<vmem_shared>> -> memref<10240x128xf32, #tpu.memory_space<vmem_shared>>
        tpu.wait_indirect_dma semaphore(%run_scoped3A_157 : memref<!tpu.dma_semaphore, #tpu.memory_space<semaphore_mem>>) src(%arg8 : memref<64x128xf32, #tpu.memory_space<vmem>>) dst(%dma_wait3A_169 : memref<10240x128xf32, #tpu.memory_space<vmem_shared>>)
        tpu.yield
      }) : () -> ()
    }
    %scan3A_7 = arith.constant 160 : i32
    %barrier3A_8 = arith.constant 0 : index
    tpu.barrier barrier_id(%barrier3A_8)
    %mul3A_9 = arith.constant 640 : i32
    %mul3A_10 = arith.muli %arg1, %mul3A_9 : i32
    %add3A_11 = arith.constant 0 : i32
    %add3A_12 = arith.addi %mul3A_10, %add3A_11 : i32
    "tpu.region"() ({
      %run_scoped3A = tpu.sem_alloc : memref<!tpu.dma_semaphore, #tpu.memory_space<semaphore_mem>>
      %dma_start3A = arith.constant 0 : i32
      %dma_start3A_49 = tpu.memref_slice %arg9[%add3A_12, %dma_start3A] : memref<10240x128xf32, #tpu.memory_space<vmem_shared>> -> memref<64x128xf32, #tpu.memory_space<vmem_shared>>
      %dma_start3A_50 = arith.constant 0 : i32
      %dma_start3A_51 = tpu.memref_slice %arg9[%add3A_12, %dma_start3A_50] : memref<10240x128xf32, #tpu.memory_space<vmem_shared>> -> memref<64x128xf32, #tpu.memory_space<vmem_shared>>
      tpu.enqueue_dma source(%dma_start3A_51 : memref<64x128xf32, #tpu.memory_space<vmem_shared>>) target(%arg7 : memref<64x128xf32, #tpu.memory_space<vmem>>) target_semaphore(%run_scoped3A : memref<!tpu.dma_semaphore, #tpu.memory_space<semaphore_mem>>)
      %dma_wait3A = arith.constant 0 : i32
      %dma_wait3A_52 = tpu.memref_slice %arg9[%add3A_12, %dma_wait3A] : memref<10240x128xf32, #tpu.memory_space<vmem_shared>> -> memref<64x128xf32, #tpu.memory_space<vmem_shared>>
      %dma_wait3A_53 = arith.constant 0 : i32
      %dma_wait3A_54 = tpu.memref_slice %arg9[%add3A_12, %dma_wait3A_53] : memref<10240x128xf32, #tpu.memory_space<vmem_shared>> -> memref<64x128xf32, #tpu.memory_space<vmem_shared>>
      tpu.wait_dma2 semaphore(%run_scoped3A : memref<!tpu.dma_semaphore, #tpu.memory_space<semaphore_mem>>) src(%dma_wait3A_54 : memref<64x128xf32, #tpu.memory_space<vmem_shared>>) dst(%arg7 : memref<64x128xf32, #tpu.memory_space<vmem>>)
      tpu.yield
    }) : () -> ()
    "tpu.region"() ({
      %run_scoped3A = tpu.sem_alloc : memref<!tpu.dma_semaphore, #tpu.memory_space<semaphore_mem>>
      %dma_start3A = arith.constant 0 : i32
      %dma_start3A_49 = tpu.memref_slice %arg5[%arg0, %add3A_12, %dma_start3A] : memref<2x10240x128xf32, #tpu.memory_space<hbm>> -> memref<1x64x128xf32, #tpu.memory_space<hbm>>
      %dma_start3A_50 = tpu.memref_squeeze %dma_start3A_49 : memref<1x64x128xf32, #tpu.memory_space<hbm>> -> memref<64x128xf32, #tpu.memory_space<hbm>>
      %dma_start3A_51 = arith.constant 0 : i32
      %dma_start3A_52 = tpu.memref_slice %arg5[%arg0, %add3A_12, %dma_start3A_51] : memref<2x10240x128xf32, #tpu.memory_space<hbm>> -> memref<1x64x128xf32, #tpu.memory_space<hbm>>
      %dma_start3A_53 = tpu.memref_squeeze %dma_start3A_52 : memref<1x64x128xf32, #tpu.memory_space<hbm>> -> memref<64x128xf32, #tpu.memory_space<hbm>>
      tpu.enqueue_dma source(%arg7 : memref<64x128xf32, #tpu.memory_space<vmem>>) target(%dma_start3A_53 : memref<64x128xf32, #tpu.memory_space<hbm>>) target_semaphore(%run_scoped3A : memref<!tpu.dma_semaphore, #tpu.memory_space<semaphore_mem>>)
      %dma_wait3A = arith.constant 0 : i32
      %dma_wait3A_54 = tpu.memref_slice %arg5[%arg0, %add3A_12, %dma_wait3A] : memref<2x10240x128xf32, #tpu.memory_space<hbm>> -> memref<1x64x128xf32, #tpu.memory_space<hbm>>
      %dma_wait3A_55 = tpu.memref_squeeze %dma_wait3A_54 : memref<1x64x128xf32, #tpu.memory_space<hbm>> -> memref<64x128xf32, #tpu.memory_space<hbm>>
      %dma_wait3A_56 = arith.constant 0 : i32
      %dma_wait3A_57 = tpu.memref_slice %arg5[%arg0, %add3A_12, %dma_wait3A_56] : memref<2x10240x128xf32, #tpu.memory_space<hbm>> -> memref<1x64x128xf32, #tpu.memory_space<hbm>>
      %dma_wait3A_58 = tpu.memref_squeeze %dma_wait3A_57 : memref<1x64x128xf32, #tpu.memory_space<hbm>> -> memref<64x128xf32, #tpu.memory_space<hbm>>
      tpu.wait_dma2 semaphore(%run_scoped3A : memref<!tpu.dma_semaphore, #tpu.memory_space<semaphore_mem>>) src(%arg7 : memref<64x128xf32, #tpu.memory_space<vmem>>) dst(%dma_wait3A_58 : memref<64x128xf32, #tpu.memory_space<hbm>>)
      tpu.yield
    }) : () -> ()
    %mul3A_13 = arith.constant 640 : i32
    %mul3A_14 = arith.muli %arg1, %mul3A_13 : i32
    %add3A_15 = arith.constant 64 : i32
    %add3A_16 = arith.addi %mul3A_14, %add3A_15 : i32
    "tpu.region"() ({
      %run_scoped3A = tpu.sem_alloc : memref<!tpu.dma_semaphore, #tpu.memory_space<semaphore_mem>>
      %dma_start3A = arith.constant 0 : i32
      %dma_start3A_49 = tpu.memref_slice %arg9[%add3A_16, %dma_start3A] : memref<10240x128xf32, #tpu.memory_space<vmem_shared>> -> memref<64x128xf32, #tpu.memory_space<vmem_shared>>
      %dma_start3A_50 = arith.constant 0 : i32
      %dma_start3A_51 = tpu.memref_slice %arg9[%add3A_16, %dma_start3A_50] : memref<10240x128xf32, #tpu.memory_space<vmem_shared>> -> memref<64x128xf32, #tpu.memory_space<vmem_shared>>
      tpu.enqueue_dma source(%dma_start3A_51 : memref<64x128xf32, #tpu.memory_space<vmem_shared>>) target(%arg7 : memref<64x128xf32, #tpu.memory_space<vmem>>) target_semaphore(%run_scoped3A : memref<!tpu.dma_semaphore, #tpu.memory_space<semaphore_mem>>)
      %dma_wait3A = arith.constant 0 : i32
      %dma_wait3A_52 = tpu.memref_slice %arg9[%add3A_16, %dma_wait3A] : memref<10240x128xf32, #tpu.memory_space<vmem_shared>> -> memref<64x128xf32, #tpu.memory_space<vmem_shared>>
      %dma_wait3A_53 = arith.constant 0 : i32
      %dma_wait3A_54 = tpu.memref_slice %arg9[%add3A_16, %dma_wait3A_53] : memref<10240x128xf32, #tpu.memory_space<vmem_shared>> -> memref<64x128xf32, #tpu.memory_space<vmem_shared>>
      tpu.wait_dma2 semaphore(%run_scoped3A : memref<!tpu.dma_semaphore, #tpu.memory_space<semaphore_mem>>) src(%dma_wait3A_54 : memref<64x128xf32, #tpu.memory_space<vmem_shared>>) dst(%arg7 : memref<64x128xf32, #tpu.memory_space<vmem>>)
      tpu.yield
    }) : () -> ()
    "tpu.region"() ({
      %run_scoped3A = tpu.sem_alloc : memref<!tpu.dma_semaphore, #tpu.memory_space<semaphore_mem>>
      %dma_start3A = arith.constant 0 : i32
      %dma_start3A_49 = tpu.memref_slice %arg5[%arg0, %add3A_16, %dma_start3A] : memref<2x10240x128xf32, #tpu.memory_space<hbm>> -> memref<1x64x128xf32, #tpu.memory_space<hbm>>
      %dma_start3A_50 = tpu.memref_squeeze %dma_start3A_49 : memref<1x64x128xf32, #tpu.memory_space<hbm>> -> memref<64x128xf32, #tpu.memory_space<hbm>>
      %dma_start3A_51 = arith.constant 0 : i32
      %dma_start3A_52 = tpu.memref_slice %arg5[%arg0, %add3A_16, %dma_start3A_51] : memref<2x10240x128xf32, #tpu.memory_space<hbm>> -> memref<1x64x128xf32, #tpu.memory_space<hbm>>
      %dma_start3A_53 = tpu.memref_squeeze %dma_start3A_52 : memref<1x64x128xf32, #tpu.memory_space<hbm>> -> memref<64x128xf32, #tpu.memory_space<hbm>>
      tpu.enqueue_dma source(%arg7 : memref<64x128xf32, #tpu.memory_space<vmem>>) target(%dma_start3A_53 : memref<64x128xf32, #tpu.memory_space<hbm>>) target_semaphore(%run_scoped3A : memref<!tpu.dma_semaphore, #tpu.memory_space<semaphore_mem>>)
      %dma_wait3A = arith.constant 0 : i32
      %dma_wait3A_54 = tpu.memref_slice %arg5[%arg0, %add3A_16, %dma_wait3A] : memref<2x10240x128xf32, #tpu.memory_space<hbm>> -> memref<1x64x128xf32, #tpu.memory_space<hbm>>
      %dma_wait3A_55 = tpu.memref_squeeze %dma_wait3A_54 : memref<1x64x128xf32, #tpu.memory_space<hbm>> -> memref<64x128xf32, #tpu.memory_space<hbm>>
      %dma_wait3A_56 = arith.constant 0 : i32
      %dma_wait3A_57 = tpu.memref_slice %arg5[%arg0, %add3A_16, %dma_wait3A_56] : memref<2x10240x128xf32, #tpu.memory_space<hbm>> -> memref<1x64x128xf32, #tpu.memory_space<hbm>>
      %dma_wait3A_58 = tpu.memref_squeeze %dma_wait3A_57 : memref<1x64x128xf32, #tpu.memory_space<hbm>> -> memref<64x128xf32, #tpu.memory_space<hbm>>
      tpu.wait_dma2 semaphore(%run_scoped3A : memref<!tpu.dma_semaphore, #tpu.memory_space<semaphore_mem>>) src(%arg7 : memref<64x128xf32, #tpu.memory_space<vmem>>) dst(%dma_wait3A_58 : memref<64x128xf32, #tpu.memory_space<hbm>>)
      tpu.yield
    }) : () -> ()
    %mul3A_17 = arith.constant 640 : i32
    %mul3A_18 = arith.muli %arg1, %mul3A_17 : i32
    %add3A_19 = arith.constant 128 : i32
    %add3A_20 = arith.addi %mul3A_18, %add3A_19 : i32
    "tpu.region"() ({
      %run_scoped3A = tpu.sem_alloc : memref<!tpu.dma_semaphore, #tpu.memory_space<semaphore_mem>>
      %dma_start3A = arith.constant 0 : i32
      %dma_start3A_49 = tpu.memref_slice %arg9[%add3A_20, %dma_start3A] : memref<10240x128xf32, #tpu.memory_space<vmem_shared>> -> memref<64x128xf32, #tpu.memory_space<vmem_shared>>
      %dma_start3A_50 = arith.constant 0 : i32
      %dma_start3A_51 = tpu.memref_slice %arg9[%add3A_20, %dma_start3A_50] : memref<10240x128xf32, #tpu.memory_space<vmem_shared>> -> memref<64x128xf32, #tpu.memory_space<vmem_shared>>
      tpu.enqueue_dma source(%dma_start3A_51 : memref<64x128xf32, #tpu.memory_space<vmem_shared>>) target(%arg7 : memref<64x128xf32, #tpu.memory_space<vmem>>) target_semaphore(%run_scoped3A : memref<!tpu.dma_semaphore, #tpu.memory_space<semaphore_mem>>)
      %dma_wait3A = arith.constant 0 : i32
      %dma_wait3A_52 = tpu.memref_slice %arg9[%add3A_20, %dma_wait3A] : memref<10240x128xf32, #tpu.memory_space<vmem_shared>> -> memref<64x128xf32, #tpu.memory_space<vmem_shared>>
      %dma_wait3A_53 = arith.constant 0 : i32
      %dma_wait3A_54 = tpu.memref_slice %arg9[%add3A_20, %dma_wait3A_53] : memref<10240x128xf32, #tpu.memory_space<vmem_shared>> -> memref<64x128xf32, #tpu.memory_space<vmem_shared>>
      tpu.wait_dma2 semaphore(%run_scoped3A : memref<!tpu.dma_semaphore, #tpu.memory_space<semaphore_mem>>) src(%dma_wait3A_54 : memref<64x128xf32, #tpu.memory_space<vmem_shared>>) dst(%arg7 : memref<64x128xf32, #tpu.memory_space<vmem>>)
      tpu.yield
    }) : () -> ()
    "tpu.region"() ({
      %run_scoped3A = tpu.sem_alloc : memref<!tpu.dma_semaphore, #tpu.memory_space<semaphore_mem>>
      %dma_start3A = arith.constant 0 : i32
      %dma_start3A_49 = tpu.memref_slice %arg5[%arg0, %add3A_20, %dma_start3A] : memref<2x10240x128xf32, #tpu.memory_space<hbm>> -> memref<1x64x128xf32, #tpu.memory_space<hbm>>
      %dma_start3A_50 = tpu.memref_squeeze %dma_start3A_49 : memref<1x64x128xf32, #tpu.memory_space<hbm>> -> memref<64x128xf32, #tpu.memory_space<hbm>>
      %dma_start3A_51 = arith.constant 0 : i32
      %dma_start3A_52 = tpu.memref_slice %arg5[%arg0, %add3A_20, %dma_start3A_51] : memref<2x10240x128xf32, #tpu.memory_space<hbm>> -> memref<1x64x128xf32, #tpu.memory_space<hbm>>
      %dma_start3A_53 = tpu.memref_squeeze %dma_start3A_52 : memref<1x64x128xf32, #tpu.memory_space<hbm>> -> memref<64x128xf32, #tpu.memory_space<hbm>>
      tpu.enqueue_dma source(%arg7 : memref<64x128xf32, #tpu.memory_space<vmem>>) target(%dma_start3A_53 : memref<64x128xf32, #tpu.memory_space<hbm>>) target_semaphore(%run_scoped3A : memref<!tpu.dma_semaphore, #tpu.memory_space<semaphore_mem>>)
      %dma_wait3A = arith.constant 0 : i32
      %dma_wait3A_54 = tpu.memref_slice %arg5[%arg0, %add3A_20, %dma_wait3A] : memref<2x10240x128xf32, #tpu.memory_space<hbm>> -> memref<1x64x128xf32, #tpu.memory_space<hbm>>
      %dma_wait3A_55 = tpu.memref_squeeze %dma_wait3A_54 : memref<1x64x128xf32, #tpu.memory_space<hbm>> -> memref<64x128xf32, #tpu.memory_space<hbm>>
      %dma_wait3A_56 = arith.constant 0 : i32
      %dma_wait3A_57 = tpu.memref_slice %arg5[%arg0, %add3A_20, %dma_wait3A_56] : memref<2x10240x128xf32, #tpu.memory_space<hbm>> -> memref<1x64x128xf32, #tpu.memory_space<hbm>>
      %dma_wait3A_58 = tpu.memref_squeeze %dma_wait3A_57 : memref<1x64x128xf32, #tpu.memory_space<hbm>> -> memref<64x128xf32, #tpu.memory_space<hbm>>
      tpu.wait_dma2 semaphore(%run_scoped3A : memref<!tpu.dma_semaphore, #tpu.memory_space<semaphore_mem>>) src(%arg7 : memref<64x128xf32, #tpu.memory_space<vmem>>) dst(%dma_wait3A_58 : memref<64x128xf32, #tpu.memory_space<hbm>>)
      tpu.yield
    }) : () -> ()
    %mul3A_21 = arith.constant 640 : i32
    %mul3A_22 = arith.muli %arg1, %mul3A_21 : i32
    %add3A_23 = arith.constant 192 : i32
    %add3A_24 = arith.addi %mul3A_22, %add3A_23 : i32
    "tpu.region"() ({
      %run_scoped3A = tpu.sem_alloc : memref<!tpu.dma_semaphore, #tpu.memory_space<semaphore_mem>>
      %dma_start3A = arith.constant 0 : i32
      %dma_start3A_49 = tpu.memref_slice %arg9[%add3A_24, %dma_start3A] : memref<10240x128xf32, #tpu.memory_space<vmem_shared>> -> memref<64x128xf32, #tpu.memory_space<vmem_shared>>
      %dma_start3A_50 = arith.constant 0 : i32
      %dma_start3A_51 = tpu.memref_slice %arg9[%add3A_24, %dma_start3A_50] : memref<10240x128xf32, #tpu.memory_space<vmem_shared>> -> memref<64x128xf32, #tpu.memory_space<vmem_shared>>
      tpu.enqueue_dma source(%dma_start3A_51 : memref<64x128xf32, #tpu.memory_space<vmem_shared>>) target(%arg7 : memref<64x128xf32, #tpu.memory_space<vmem>>) target_semaphore(%run_scoped3A : memref<!tpu.dma_semaphore, #tpu.memory_space<semaphore_mem>>)
      %dma_wait3A = arith.constant 0 : i32
      %dma_wait3A_52 = tpu.memref_slice %arg9[%add3A_24, %dma_wait3A] : memref<10240x128xf32, #tpu.memory_space<vmem_shared>> -> memref<64x128xf32, #tpu.memory_space<vmem_shared>>
      %dma_wait3A_53 = arith.constant 0 : i32
      %dma_wait3A_54 = tpu.memref_slice %arg9[%add3A_24, %dma_wait3A_53] : memref<10240x128xf32, #tpu.memory_space<vmem_shared>> -> memref<64x128xf32, #tpu.memory_space<vmem_shared>>
      tpu.wait_dma2 semaphore(%run_scoped3A : memref<!tpu.dma_semaphore, #tpu.memory_space<semaphore_mem>>) src(%dma_wait3A_54 : memref<64x128xf32, #tpu.memory_space<vmem_shared>>) dst(%arg7 : memref<64x128xf32, #tpu.memory_space<vmem>>)
      tpu.yield
    }) : () -> ()
    "tpu.region"() ({
      %run_scoped3A = tpu.sem_alloc : memref<!tpu.dma_semaphore, #tpu.memory_space<semaphore_mem>>
      %dma_start3A = arith.constant 0 : i32
      %dma_start3A_49 = tpu.memref_slice %arg5[%arg0, %add3A_24, %dma_start3A] : memref<2x10240x128xf32, #tpu.memory_space<hbm>> -> memref<1x64x128xf32, #tpu.memory_space<hbm>>
      %dma_start3A_50 = tpu.memref_squeeze %dma_start3A_49 : memref<1x64x128xf32, #tpu.memory_space<hbm>> -> memref<64x128xf32, #tpu.memory_space<hbm>>
      %dma_start3A_51 = arith.constant 0 : i32
      %dma_start3A_52 = tpu.memref_slice %arg5[%arg0, %add3A_24, %dma_start3A_51] : memref<2x10240x128xf32, #tpu.memory_space<hbm>> -> memref<1x64x128xf32, #tpu.memory_space<hbm>>
      %dma_start3A_53 = tpu.memref_squeeze %dma_start3A_52 : memref<1x64x128xf32, #tpu.memory_space<hbm>> -> memref<64x128xf32, #tpu.memory_space<hbm>>
      tpu.enqueue_dma source(%arg7 : memref<64x128xf32, #tpu.memory_space<vmem>>) target(%dma_start3A_53 : memref<64x128xf32, #tpu.memory_space<hbm>>) target_semaphore(%run_scoped3A : memref<!tpu.dma_semaphore, #tpu.memory_space<semaphore_mem>>)
      %dma_wait3A = arith.constant 0 : i32
      %dma_wait3A_54 = tpu.memref_slice %arg5[%arg0, %add3A_24, %dma_wait3A] : memref<2x10240x128xf32, #tpu.memory_space<hbm>> -> memref<1x64x128xf32, #tpu.memory_space<hbm>>
      %dma_wait3A_55 = tpu.memref_squeeze %dma_wait3A_54 : memref<1x64x128xf32, #tpu.memory_space<hbm>> -> memref<64x128xf32, #tpu.memory_space<hbm>>
      %dma_wait3A_56 = arith.constant 0 : i32
      %dma_wait3A_57 = tpu.memref_slice %arg5[%arg0, %add3A_24, %dma_wait3A_56] : memref<2x10240x128xf32, #tpu.memory_space<hbm>> -> memref<1x64x128xf32, #tpu.memory_space<hbm>>
      %dma_wait3A_58 = tpu.memref_squeeze %dma_wait3A_57 : memref<1x64x128xf32, #tpu.memory_space<hbm>> -> memref<64x128xf32, #tpu.memory_space<hbm>>
      tpu.wait_dma2 semaphore(%run_scoped3A : memref<!tpu.dma_semaphore, #tpu.memory_space<semaphore_mem>>) src(%arg7 : memref<64x128xf32, #tpu.memory_space<vmem>>) dst(%dma_wait3A_58 : memref<64x128xf32, #tpu.memory_space<hbm>>)
      tpu.yield
    }) : () -> ()
    %mul3A_25 = arith.constant 640 : i32
    %mul3A_26 = arith.muli %arg1, %mul3A_25 : i32
    %add3A_27 = arith.constant 256 : i32
    %add3A_28 = arith.addi %mul3A_26, %add3A_27 : i32
    "tpu.region"() ({
      %run_scoped3A = tpu.sem_alloc : memref<!tpu.dma_semaphore, #tpu.memory_space<semaphore_mem>>
      %dma_start3A = arith.constant 0 : i32
      %dma_start3A_49 = tpu.memref_slice %arg9[%add3A_28, %dma_start3A] : memref<10240x128xf32, #tpu.memory_space<vmem_shared>> -> memref<64x128xf32, #tpu.memory_space<vmem_shared>>
      %dma_start3A_50 = arith.constant 0 : i32
      %dma_start3A_51 = tpu.memref_slice %arg9[%add3A_28, %dma_start3A_50] : memref<10240x128xf32, #tpu.memory_space<vmem_shared>> -> memref<64x128xf32, #tpu.memory_space<vmem_shared>>
      tpu.enqueue_dma source(%dma_start3A_51 : memref<64x128xf32, #tpu.memory_space<vmem_shared>>) target(%arg7 : memref<64x128xf32, #tpu.memory_space<vmem>>) target_semaphore(%run_scoped3A : memref<!tpu.dma_semaphore, #tpu.memory_space<semaphore_mem>>)
      %dma_wait3A = arith.constant 0 : i32
      %dma_wait3A_52 = tpu.memref_slice %arg9[%add3A_28, %dma_wait3A] : memref<10240x128xf32, #tpu.memory_space<vmem_shared>> -> memref<64x128xf32, #tpu.memory_space<vmem_shared>>
      %dma_wait3A_53 = arith.constant 0 : i32
      %dma_wait3A_54 = tpu.memref_slice %arg9[%add3A_28, %dma_wait3A_53] : memref<10240x128xf32, #tpu.memory_space<vmem_shared>> -> memref<64x128xf32, #tpu.memory_space<vmem_shared>>
      tpu.wait_dma2 semaphore(%run_scoped3A : memref<!tpu.dma_semaphore, #tpu.memory_space<semaphore_mem>>) src(%dma_wait3A_54 : memref<64x128xf32, #tpu.memory_space<vmem_shared>>) dst(%arg7 : memref<64x128xf32, #tpu.memory_space<vmem>>)
      tpu.yield
    }) : () -> ()
    "tpu.region"() ({
      %run_scoped3A = tpu.sem_alloc : memref<!tpu.dma_semaphore, #tpu.memory_space<semaphore_mem>>
      %dma_start3A = arith.constant 0 : i32
      %dma_start3A_49 = tpu.memref_slice %arg5[%arg0, %add3A_28, %dma_start3A] : memref<2x10240x128xf32, #tpu.memory_space<hbm>> -> memref<1x64x128xf32, #tpu.memory_space<hbm>>
      %dma_start3A_50 = tpu.memref_squeeze %dma_start3A_49 : memref<1x64x128xf32, #tpu.memory_space<hbm>> -> memref<64x128xf32, #tpu.memory_space<hbm>>
      %dma_start3A_51 = arith.constant 0 : i32
      %dma_start3A_52 = tpu.memref_slice %arg5[%arg0, %add3A_28, %dma_start3A_51] : memref<2x10240x128xf32, #tpu.memory_space<hbm>> -> memref<1x64x128xf32, #tpu.memory_space<hbm>>
      %dma_start3A_53 = tpu.memref_squeeze %dma_start3A_52 : memref<1x64x128xf32, #tpu.memory_space<hbm>> -> memref<64x128xf32, #tpu.memory_space<hbm>>
      tpu.enqueue_dma source(%arg7 : memref<64x128xf32, #tpu.memory_space<vmem>>) target(%dma_start3A_53 : memref<64x128xf32, #tpu.memory_space<hbm>>) target_semaphore(%run_scoped3A : memref<!tpu.dma_semaphore, #tpu.memory_space<semaphore_mem>>)
      %dma_wait3A = arith.constant 0 : i32
      %dma_wait3A_54 = tpu.memref_slice %arg5[%arg0, %add3A_28, %dma_wait3A] : memref<2x10240x128xf32, #tpu.memory_space<hbm>> -> memref<1x64x128xf32, #tpu.memory_space<hbm>>
      %dma_wait3A_55 = tpu.memref_squeeze %dma_wait3A_54 : memref<1x64x128xf32, #tpu.memory_space<hbm>> -> memref<64x128xf32, #tpu.memory_space<hbm>>
      %dma_wait3A_56 = arith.constant 0 : i32
      %dma_wait3A_57 = tpu.memref_slice %arg5[%arg0, %add3A_28, %dma_wait3A_56] : memref<2x10240x128xf32, #tpu.memory_space<hbm>> -> memref<1x64x128xf32, #tpu.memory_space<hbm>>
      %dma_wait3A_58 = tpu.memref_squeeze %dma_wait3A_57 : memref<1x64x128xf32, #tpu.memory_space<hbm>> -> memref<64x128xf32, #tpu.memory_space<hbm>>
      tpu.wait_dma2 semaphore(%run_scoped3A : memref<!tpu.dma_semaphore, #tpu.memory_space<semaphore_mem>>) src(%arg7 : memref<64x128xf32, #tpu.memory_space<vmem>>) dst(%dma_wait3A_58 : memref<64x128xf32, #tpu.memory_space<hbm>>)
      tpu.yield
    }) : () -> ()
    %mul3A_29 = arith.constant 640 : i32
    %mul3A_30 = arith.muli %arg1, %mul3A_29 : i32
    %add3A_31 = arith.constant 320 : i32
    %add3A_32 = arith.addi %mul3A_30, %add3A_31 : i32
    "tpu.region"() ({
      %run_scoped3A = tpu.sem_alloc : memref<!tpu.dma_semaphore, #tpu.memory_space<semaphore_mem>>
      %dma_start3A = arith.constant 0 : i32
      %dma_start3A_49 = tpu.memref_slice %arg9[%add3A_32, %dma_start3A] : memref<10240x128xf32, #tpu.memory_space<vmem_shared>> -> memref<64x128xf32, #tpu.memory_space<vmem_shared>>
      %dma_start3A_50 = arith.constant 0 : i32
      %dma_start3A_51 = tpu.memref_slice %arg9[%add3A_32, %dma_start3A_50] : memref<10240x128xf32, #tpu.memory_space<vmem_shared>> -> memref<64x128xf32, #tpu.memory_space<vmem_shared>>
      tpu.enqueue_dma source(%dma_start3A_51 : memref<64x128xf32, #tpu.memory_space<vmem_shared>>) target(%arg7 : memref<64x128xf32, #tpu.memory_space<vmem>>) target_semaphore(%run_scoped3A : memref<!tpu.dma_semaphore, #tpu.memory_space<semaphore_mem>>)
      %dma_wait3A = arith.constant 0 : i32
      %dma_wait3A_52 = tpu.memref_slice %arg9[%add3A_32, %dma_wait3A] : memref<10240x128xf32, #tpu.memory_space<vmem_shared>> -> memref<64x128xf32, #tpu.memory_space<vmem_shared>>
      %dma_wait3A_53 = arith.constant 0 : i32
      %dma_wait3A_54 = tpu.memref_slice %arg9[%add3A_32, %dma_wait3A_53] : memref<10240x128xf32, #tpu.memory_space<vmem_shared>> -> memref<64x128xf32, #tpu.memory_space<vmem_shared>>
      tpu.wait_dma2 semaphore(%run_scoped3A : memref<!tpu.dma_semaphore, #tpu.memory_space<semaphore_mem>>) src(%dma_wait3A_54 : memref<64x128xf32, #tpu.memory_space<vmem_shared>>) dst(%arg7 : memref<64x128xf32, #tpu.memory_space<vmem>>)
      tpu.yield
    }) : () -> ()
    "tpu.region"() ({
      %run_scoped3A = tpu.sem_alloc : memref<!tpu.dma_semaphore, #tpu.memory_space<semaphore_mem>>
      %dma_start3A = arith.constant 0 : i32
      %dma_start3A_49 = tpu.memref_slice %arg5[%arg0, %add3A_32, %dma_start3A] : memref<2x10240x128xf32, #tpu.memory_space<hbm>> -> memref<1x64x128xf32, #tpu.memory_space<hbm>>
      %dma_start3A_50 = tpu.memref_squeeze %dma_start3A_49 : memref<1x64x128xf32, #tpu.memory_space<hbm>> -> memref<64x128xf32, #tpu.memory_space<hbm>>
      %dma_start3A_51 = arith.constant 0 : i32
      %dma_start3A_52 = tpu.memref_slice %arg5[%arg0, %add3A_32, %dma_start3A_51] : memref<2x10240x128xf32, #tpu.memory_space<hbm>> -> memref<1x64x128xf32, #tpu.memory_space<hbm>>
      %dma_start3A_53 = tpu.memref_squeeze %dma_start3A_52 : memref<1x64x128xf32, #tpu.memory_space<hbm>> -> memref<64x128xf32, #tpu.memory_space<hbm>>
      tpu.enqueue_dma source(%arg7 : memref<64x128xf32, #tpu.memory_space<vmem>>) target(%dma_start3A_53 : memref<64x128xf32, #tpu.memory_space<hbm>>) target_semaphore(%run_scoped3A : memref<!tpu.dma_semaphore, #tpu.memory_space<semaphore_mem>>)
      %dma_wait3A = arith.constant 0 : i32
      %dma_wait3A_54 = tpu.memref_slice %arg5[%arg0, %add3A_32, %dma_wait3A] : memref<2x10240x128xf32, #tpu.memory_space<hbm>> -> memref<1x64x128xf32, #tpu.memory_space<hbm>>
      %dma_wait3A_55 = tpu.memref_squeeze %dma_wait3A_54 : memref<1x64x128xf32, #tpu.memory_space<hbm>> -> memref<64x128xf32, #tpu.memory_space<hbm>>
      %dma_wait3A_56 = arith.constant 0 : i32
      %dma_wait3A_57 = tpu.memref_slice %arg5[%arg0, %add3A_32, %dma_wait3A_56] : memref<2x10240x128xf32, #tpu.memory_space<hbm>> -> memref<1x64x128xf32, #tpu.memory_space<hbm>>
      %dma_wait3A_58 = tpu.memref_squeeze %dma_wait3A_57 : memref<1x64x128xf32, #tpu.memory_space<hbm>> -> memref<64x128xf32, #tpu.memory_space<hbm>>
      tpu.wait_dma2 semaphore(%run_scoped3A : memref<!tpu.dma_semaphore, #tpu.memory_space<semaphore_mem>>) src(%arg7 : memref<64x128xf32, #tpu.memory_space<vmem>>) dst(%dma_wait3A_58 : memref<64x128xf32, #tpu.memory_space<hbm>>)
      tpu.yield
    }) : () -> ()
    %mul3A_33 = arith.constant 640 : i32
    %mul3A_34 = arith.muli %arg1, %mul3A_33 : i32
    %add3A_35 = arith.constant 384 : i32
    %add3A_36 = arith.addi %mul3A_34, %add3A_35 : i32
    "tpu.region"() ({
      %run_scoped3A = tpu.sem_alloc : memref<!tpu.dma_semaphore, #tpu.memory_space<semaphore_mem>>
      %dma_start3A = arith.constant 0 : i32
      %dma_start3A_49 = tpu.memref_slice %arg9[%add3A_36, %dma_start3A] : memref<10240x128xf32, #tpu.memory_space<vmem_shared>> -> memref<64x128xf32, #tpu.memory_space<vmem_shared>>
      %dma_start3A_50 = arith.constant 0 : i32
      %dma_start3A_51 = tpu.memref_slice %arg9[%add3A_36, %dma_start3A_50] : memref<10240x128xf32, #tpu.memory_space<vmem_shared>> -> memref<64x128xf32, #tpu.memory_space<vmem_shared>>
      tpu.enqueue_dma source(%dma_start3A_51 : memref<64x128xf32, #tpu.memory_space<vmem_shared>>) target(%arg7 : memref<64x128xf32, #tpu.memory_space<vmem>>) target_semaphore(%run_scoped3A : memref<!tpu.dma_semaphore, #tpu.memory_space<semaphore_mem>>)
      %dma_wait3A = arith.constant 0 : i32
      %dma_wait3A_52 = tpu.memref_slice %arg9[%add3A_36, %dma_wait3A] : memref<10240x128xf32, #tpu.memory_space<vmem_shared>> -> memref<64x128xf32, #tpu.memory_space<vmem_shared>>
      %dma_wait3A_53 = arith.constant 0 : i32
      %dma_wait3A_54 = tpu.memref_slice %arg9[%add3A_36, %dma_wait3A_53] : memref<10240x128xf32, #tpu.memory_space<vmem_shared>> -> memref<64x128xf32, #tpu.memory_space<vmem_shared>>
      tpu.wait_dma2 semaphore(%run_scoped3A : memref<!tpu.dma_semaphore, #tpu.memory_space<semaphore_mem>>) src(%dma_wait3A_54 : memref<64x128xf32, #tpu.memory_space<vmem_shared>>) dst(%arg7 : memref<64x128xf32, #tpu.memory_space<vmem>>)
      tpu.yield
    }) : () -> ()
    "tpu.region"() ({
      %run_scoped3A = tpu.sem_alloc : memref<!tpu.dma_semaphore, #tpu.memory_space<semaphore_mem>>
      %dma_start3A = arith.constant 0 : i32
      %dma_start3A_49 = tpu.memref_slice %arg5[%arg0, %add3A_36, %dma_start3A] : memref<2x10240x128xf32, #tpu.memory_space<hbm>> -> memref<1x64x128xf32, #tpu.memory_space<hbm>>
      %dma_start3A_50 = tpu.memref_squeeze %dma_start3A_49 : memref<1x64x128xf32, #tpu.memory_space<hbm>> -> memref<64x128xf32, #tpu.memory_space<hbm>>
      %dma_start3A_51 = arith.constant 0 : i32
      %dma_start3A_52 = tpu.memref_slice %arg5[%arg0, %add3A_36, %dma_start3A_51] : memref<2x10240x128xf32, #tpu.memory_space<hbm>> -> memref<1x64x128xf32, #tpu.memory_space<hbm>>
      %dma_start3A_53 = tpu.memref_squeeze %dma_start3A_52 : memref<1x64x128xf32, #tpu.memory_space<hbm>> -> memref<64x128xf32, #tpu.memory_space<hbm>>
      tpu.enqueue_dma source(%arg7 : memref<64x128xf32, #tpu.memory_space<vmem>>) target(%dma_start3A_53 : memref<64x128xf32, #tpu.memory_space<hbm>>) target_semaphore(%run_scoped3A : memref<!tpu.dma_semaphore, #tpu.memory_space<semaphore_mem>>)
      %dma_wait3A = arith.constant 0 : i32
      %dma_wait3A_54 = tpu.memref_slice %arg5[%arg0, %add3A_36, %dma_wait3A] : memref<2x10240x128xf32, #tpu.memory_space<hbm>> -> memref<1x64x128xf32, #tpu.memory_space<hbm>>
      %dma_wait3A_55 = tpu.memref_squeeze %dma_wait3A_54 : memref<1x64x128xf32, #tpu.memory_space<hbm>> -> memref<64x128xf32, #tpu.memory_space<hbm>>
      %dma_wait3A_56 = arith.constant 0 : i32
      %dma_wait3A_57 = tpu.memref_slice %arg5[%arg0, %add3A_36, %dma_wait3A_56] : memref<2x10240x128xf32, #tpu.memory_space<hbm>> -> memref<1x64x128xf32, #tpu.memory_space<hbm>>
      %dma_wait3A_58 = tpu.memref_squeeze %dma_wait3A_57 : memref<1x64x128xf32, #tpu.memory_space<hbm>> -> memref<64x128xf32, #tpu.memory_space<hbm>>
      tpu.wait_dma2 semaphore(%run_scoped3A : memref<!tpu.dma_semaphore, #tpu.memory_space<semaphore_mem>>) src(%arg7 : memref<64x128xf32, #tpu.memory_space<vmem>>) dst(%dma_wait3A_58 : memref<64x128xf32, #tpu.memory_space<hbm>>)
      tpu.yield
    }) : () -> ()
    %mul3A_37 = arith.constant 640 : i32
    %mul3A_38 = arith.muli %arg1, %mul3A_37 : i32
    %add3A_39 = arith.constant 448 : i32
    %add3A_40 = arith.addi %mul3A_38, %add3A_39 : i32
    "tpu.region"() ({
      %run_scoped3A = tpu.sem_alloc : memref<!tpu.dma_semaphore, #tpu.memory_space<semaphore_mem>>
      %dma_start3A = arith.constant 0 : i32
      %dma_start3A_49 = tpu.memref_slice %arg9[%add3A_40, %dma_start3A] : memref<10240x128xf32, #tpu.memory_space<vmem_shared>> -> memref<64x128xf32, #tpu.memory_space<vmem_shared>>
      %dma_start3A_50 = arith.constant 0 : i32
      %dma_start3A_51 = tpu.memref_slice %arg9[%add3A_40, %dma_start3A_50] : memref<10240x128xf32, #tpu.memory_space<vmem_shared>> -> memref<64x128xf32, #tpu.memory_space<vmem_shared>>
      tpu.enqueue_dma source(%dma_start3A_51 : memref<64x128xf32, #tpu.memory_space<vmem_shared>>) target(%arg7 : memref<64x128xf32, #tpu.memory_space<vmem>>) target_semaphore(%run_scoped3A : memref<!tpu.dma_semaphore, #tpu.memory_space<semaphore_mem>>)
      %dma_wait3A = arith.constant 0 : i32
      %dma_wait3A_52 = tpu.memref_slice %arg9[%add3A_40, %dma_wait3A] : memref<10240x128xf32, #tpu.memory_space<vmem_shared>> -> memref<64x128xf32, #tpu.memory_space<vmem_shared>>
      %dma_wait3A_53 = arith.constant 0 : i32
      %dma_wait3A_54 = tpu.memref_slice %arg9[%add3A_40, %dma_wait3A_53] : memref<10240x128xf32, #tpu.memory_space<vmem_shared>> -> memref<64x128xf32, #tpu.memory_space<vmem_shared>>
      tpu.wait_dma2 semaphore(%run_scoped3A : memref<!tpu.dma_semaphore, #tpu.memory_space<semaphore_mem>>) src(%dma_wait3A_54 : memref<64x128xf32, #tpu.memory_space<vmem_shared>>) dst(%arg7 : memref<64x128xf32, #tpu.memory_space<vmem>>)
      tpu.yield
    }) : () -> ()
    "tpu.region"() ({
      %run_scoped3A = tpu.sem_alloc : memref<!tpu.dma_semaphore, #tpu.memory_space<semaphore_mem>>
      %dma_start3A = arith.constant 0 : i32
      %dma_start3A_49 = tpu.memref_slice %arg5[%arg0, %add3A_40, %dma_start3A] : memref<2x10240x128xf32, #tpu.memory_space<hbm>> -> memref<1x64x128xf32, #tpu.memory_space<hbm>>
      %dma_start3A_50 = tpu.memref_squeeze %dma_start3A_49 : memref<1x64x128xf32, #tpu.memory_space<hbm>> -> memref<64x128xf32, #tpu.memory_space<hbm>>
      %dma_start3A_51 = arith.constant 0 : i32
      %dma_start3A_52 = tpu.memref_slice %arg5[%arg0, %add3A_40, %dma_start3A_51] : memref<2x10240x128xf32, #tpu.memory_space<hbm>> -> memref<1x64x128xf32, #tpu.memory_space<hbm>>
      %dma_start3A_53 = tpu.memref_squeeze %dma_start3A_52 : memref<1x64x128xf32, #tpu.memory_space<hbm>> -> memref<64x128xf32, #tpu.memory_space<hbm>>
      tpu.enqueue_dma source(%arg7 : memref<64x128xf32, #tpu.memory_space<vmem>>) target(%dma_start3A_53 : memref<64x128xf32, #tpu.memory_space<hbm>>) target_semaphore(%run_scoped3A : memref<!tpu.dma_semaphore, #tpu.memory_space<semaphore_mem>>)
      %dma_wait3A = arith.constant 0 : i32
      %dma_wait3A_54 = tpu.memref_slice %arg5[%arg0, %add3A_40, %dma_wait3A] : memref<2x10240x128xf32, #tpu.memory_space<hbm>> -> memref<1x64x128xf32, #tpu.memory_space<hbm>>
      %dma_wait3A_55 = tpu.memref_squeeze %dma_wait3A_54 : memref<1x64x128xf32, #tpu.memory_space<hbm>> -> memref<64x128xf32, #tpu.memory_space<hbm>>
      %dma_wait3A_56 = arith.constant 0 : i32
      %dma_wait3A_57 = tpu.memref_slice %arg5[%arg0, %add3A_40, %dma_wait3A_56] : memref<2x10240x128xf32, #tpu.memory_space<hbm>> -> memref<1x64x128xf32, #tpu.memory_space<hbm>>
      %dma_wait3A_58 = tpu.memref_squeeze %dma_wait3A_57 : memref<1x64x128xf32, #tpu.memory_space<hbm>> -> memref<64x128xf32, #tpu.memory_space<hbm>>
      tpu.wait_dma2 semaphore(%run_scoped3A : memref<!tpu.dma_semaphore, #tpu.memory_space<semaphore_mem>>) src(%arg7 : memref<64x128xf32, #tpu.memory_space<vmem>>) dst(%dma_wait3A_58 : memref<64x128xf32, #tpu.memory_space<hbm>>)
      tpu.yield
    }) : () -> ()
    %mul3A_41 = arith.constant 640 : i32
    %mul3A_42 = arith.muli %arg1, %mul3A_41 : i32
    %add3A_43 = arith.constant 512 : i32
    %add3A_44 = arith.addi %mul3A_42, %add3A_43 : i32
    "tpu.region"() ({
      %run_scoped3A = tpu.sem_alloc : memref<!tpu.dma_semaphore, #tpu.memory_space<semaphore_mem>>
      %dma_start3A = arith.constant 0 : i32
      %dma_start3A_49 = tpu.memref_slice %arg9[%add3A_44, %dma_start3A] : memref<10240x128xf32, #tpu.memory_space<vmem_shared>> -> memref<64x128xf32, #tpu.memory_space<vmem_shared>>
      %dma_start3A_50 = arith.constant 0 : i32
      %dma_start3A_51 = tpu.memref_slice %arg9[%add3A_44, %dma_start3A_50] : memref<10240x128xf32, #tpu.memory_space<vmem_shared>> -> memref<64x128xf32, #tpu.memory_space<vmem_shared>>
      tpu.enqueue_dma source(%dma_start3A_51 : memref<64x128xf32, #tpu.memory_space<vmem_shared>>) target(%arg7 : memref<64x128xf32, #tpu.memory_space<vmem>>) target_semaphore(%run_scoped3A : memref<!tpu.dma_semaphore, #tpu.memory_space<semaphore_mem>>)
      %dma_wait3A = arith.constant 0 : i32
      %dma_wait3A_52 = tpu.memref_slice %arg9[%add3A_44, %dma_wait3A] : memref<10240x128xf32, #tpu.memory_space<vmem_shared>> -> memref<64x128xf32, #tpu.memory_space<vmem_shared>>
      %dma_wait3A_53 = arith.constant 0 : i32
      %dma_wait3A_54 = tpu.memref_slice %arg9[%add3A_44, %dma_wait3A_53] : memref<10240x128xf32, #tpu.memory_space<vmem_shared>> -> memref<64x128xf32, #tpu.memory_space<vmem_shared>>
      tpu.wait_dma2 semaphore(%run_scoped3A : memref<!tpu.dma_semaphore, #tpu.memory_space<semaphore_mem>>) src(%dma_wait3A_54 : memref<64x128xf32, #tpu.memory_space<vmem_shared>>) dst(%arg7 : memref<64x128xf32, #tpu.memory_space<vmem>>)
      tpu.yield
    }) : () -> ()
    "tpu.region"() ({
      %run_scoped3A = tpu.sem_alloc : memref<!tpu.dma_semaphore, #tpu.memory_space<semaphore_mem>>
      %dma_start3A = arith.constant 0 : i32
      %dma_start3A_49 = tpu.memref_slice %arg5[%arg0, %add3A_44, %dma_start3A] : memref<2x10240x128xf32, #tpu.memory_space<hbm>> -> memref<1x64x128xf32, #tpu.memory_space<hbm>>
      %dma_start3A_50 = tpu.memref_squeeze %dma_start3A_49 : memref<1x64x128xf32, #tpu.memory_space<hbm>> -> memref<64x128xf32, #tpu.memory_space<hbm>>
      %dma_start3A_51 = arith.constant 0 : i32
      %dma_start3A_52 = tpu.memref_slice %arg5[%arg0, %add3A_44, %dma_start3A_51] : memref<2x10240x128xf32, #tpu.memory_space<hbm>> -> memref<1x64x128xf32, #tpu.memory_space<hbm>>
      %dma_start3A_53 = tpu.memref_squeeze %dma_start3A_52 : memref<1x64x128xf32, #tpu.memory_space<hbm>> -> memref<64x128xf32, #tpu.memory_space<hbm>>
      tpu.enqueue_dma source(%arg7 : memref<64x128xf32, #tpu.memory_space<vmem>>) target(%dma_start3A_53 : memref<64x128xf32, #tpu.memory_space<hbm>>) target_semaphore(%run_scoped3A : memref<!tpu.dma_semaphore, #tpu.memory_space<semaphore_mem>>)
      %dma_wait3A = arith.constant 0 : i32
      %dma_wait3A_54 = tpu.memref_slice %arg5[%arg0, %add3A_44, %dma_wait3A] : memref<2x10240x128xf32, #tpu.memory_space<hbm>> -> memref<1x64x128xf32, #tpu.memory_space<hbm>>
      %dma_wait3A_55 = tpu.memref_squeeze %dma_wait3A_54 : memref<1x64x128xf32, #tpu.memory_space<hbm>> -> memref<64x128xf32, #tpu.memory_space<hbm>>
      %dma_wait3A_56 = arith.constant 0 : i32
      %dma_wait3A_57 = tpu.memref_slice %arg5[%arg0, %add3A_44, %dma_wait3A_56] : memref<2x10240x128xf32, #tpu.memory_space<hbm>> -> memref<1x64x128xf32, #tpu.memory_space<hbm>>
      %dma_wait3A_58 = tpu.memref_squeeze %dma_wait3A_57 : memref<1x64x128xf32, #tpu.memory_space<hbm>> -> memref<64x128xf32, #tpu.memory_space<hbm>>
      tpu.wait_dma2 semaphore(%run_scoped3A : memref<!tpu.dma_semaphore, #tpu.memory_space<semaphore_mem>>) src(%arg7 : memref<64x128xf32, #tpu.memory_space<vmem>>) dst(%dma_wait3A_58 : memref<64x128xf32, #tpu.memory_space<hbm>>)
      tpu.yield
    }) : () -> ()
    %mul3A_45 = arith.constant 640 : i32
    %mul3A_46 = arith.muli %arg1, %mul3A_45 : i32
    %add3A_47 = arith.constant 576 : i32
    %add3A_48 = arith.addi %mul3A_46, %add3A_47 : i32
    "tpu.region"() ({
      %run_scoped3A = tpu.sem_alloc : memref<!tpu.dma_semaphore, #tpu.memory_space<semaphore_mem>>
      %dma_start3A = arith.constant 0 : i32
      %dma_start3A_49 = tpu.memref_slice %arg9[%add3A_48, %dma_start3A] : memref<10240x128xf32, #tpu.memory_space<vmem_shared>> -> memref<64x128xf32, #tpu.memory_space<vmem_shared>>
      %dma_start3A_50 = arith.constant 0 : i32
      %dma_start3A_51 = tpu.memref_slice %arg9[%add3A_48, %dma_start3A_50] : memref<10240x128xf32, #tpu.memory_space<vmem_shared>> -> memref<64x128xf32, #tpu.memory_space<vmem_shared>>
      tpu.enqueue_dma source(%dma_start3A_51 : memref<64x128xf32, #tpu.memory_space<vmem_shared>>) target(%arg7 : memref<64x128xf32, #tpu.memory_space<vmem>>) target_semaphore(%run_scoped3A : memref<!tpu.dma_semaphore, #tpu.memory_space<semaphore_mem>>)
      %dma_wait3A = arith.constant 0 : i32
      %dma_wait3A_52 = tpu.memref_slice %arg9[%add3A_48, %dma_wait3A] : memref<10240x128xf32, #tpu.memory_space<vmem_shared>> -> memref<64x128xf32, #tpu.memory_space<vmem_shared>>
      %dma_wait3A_53 = arith.constant 0 : i32
      %dma_wait3A_54 = tpu.memref_slice %arg9[%add3A_48, %dma_wait3A_53] : memref<10240x128xf32, #tpu.memory_space<vmem_shared>> -> memref<64x128xf32, #tpu.memory_space<vmem_shared>>
      tpu.wait_dma2 semaphore(%run_scoped3A : memref<!tpu.dma_semaphore, #tpu.memory_space<semaphore_mem>>) src(%dma_wait3A_54 : memref<64x128xf32, #tpu.memory_space<vmem_shared>>) dst(%arg7 : memref<64x128xf32, #tpu.memory_space<vmem>>)
      tpu.yield
    }) : () -> ()
    "tpu.region"() ({
      %run_scoped3A = tpu.sem_alloc : memref<!tpu.dma_semaphore, #tpu.memory_space<semaphore_mem>>
      %dma_start3A = arith.constant 0 : i32
      %dma_start3A_49 = tpu.memref_slice %arg5[%arg0, %add3A_48, %dma_start3A] : memref<2x10240x128xf32, #tpu.memory_space<hbm>> -> memref<1x64x128xf32, #tpu.memory_space<hbm>>
      %dma_start3A_50 = tpu.memref_squeeze %dma_start3A_49 : memref<1x64x128xf32, #tpu.memory_space<hbm>> -> memref<64x128xf32, #tpu.memory_space<hbm>>
      %dma_start3A_51 = arith.constant 0 : i32
      %dma_start3A_52 = tpu.memref_slice %arg5[%arg0, %add3A_48, %dma_start3A_51] : memref<2x10240x128xf32, #tpu.memory_space<hbm>> -> memref<1x64x128xf32, #tpu.memory_space<hbm>>
      %dma_start3A_53 = tpu.memref_squeeze %dma_start3A_52 : memref<1x64x128xf32, #tpu.memory_space<hbm>> -> memref<64x128xf32, #tpu.memory_space<hbm>>
      tpu.enqueue_dma source(%arg7 : memref<64x128xf32, #tpu.memory_space<vmem>>) target(%dma_start3A_53 : memref<64x128xf32, #tpu.memory_space<hbm>>) target_semaphore(%run_scoped3A : memref<!tpu.dma_semaphore, #tpu.memory_space<semaphore_mem>>)
      %dma_wait3A = arith.constant 0 : i32
      %dma_wait3A_54 = tpu.memref_slice %arg5[%arg0, %add3A_48, %dma_wait3A] : memref<2x10240x128xf32, #tpu.memory_space<hbm>> -> memref<1x64x128xf32, #tpu.memory_space<hbm>>
      %dma_wait3A_55 = tpu.memref_squeeze %dma_wait3A_54 : memref<1x64x128xf32, #tpu.memory_space<hbm>> -> memref<64x128xf32, #tpu.memory_space<hbm>>
      %dma_wait3A_56 = arith.constant 0 : i32
      %dma_wait3A_57 = tpu.memref_slice %arg5[%arg0, %add3A_48, %dma_wait3A_56] : memref<2x10240x128xf32, #tpu.memory_space<hbm>> -> memref<1x64x128xf32, #tpu.memory_space<hbm>>
      %dma_wait3A_58 = tpu.memref_squeeze %dma_wait3A_57 : memref<1x64x128xf32, #tpu.memory_space<hbm>> -> memref<64x128xf32, #tpu.memory_space<hbm>>
      tpu.wait_dma2 semaphore(%run_scoped3A : memref<!tpu.dma_semaphore, #tpu.memory_space<semaphore_mem>>) src(%arg7 : memref<64x128xf32, #tpu.memory_space<vmem>>) dst(%dma_wait3A_58 : memref<64x128xf32, #tpu.memory_space<hbm>>)
      tpu.yield
    }) : () -> ()
    return
  }
}

module attributes {stable_mosaic.version = 14 : i64} {
  func.func @_proj_body(%arg0: i32, %arg1: i32, %arg2: memref<1000x128xf32, #tpu.memory_space<vmem>>, %arg3: memref<1x128x128xf32, #tpu.memory_space<vmem>>, %arg4: memref<1000x128xf32, #tpu.memory_space<vmem>>) attributes {dimension_semantics = [#tpu.dimension_semantics<arbitrary>, #tpu.dimension_semantics<arbitrary>], iteration_bounds = array<i64: 2, 10>, scalar_prefetch = 0 : i64, scratch_operands = 0 : i64, tpu.core_type = #tpu.core_type<tc>, window_params = [{transform_indices = @transform_0, window_bounds = array<i64: 1000, 128>}, {transform_indices = @transform_1, window_bounds = array<i64: 1, 128, 128>}, {transform_indices = @transform_2, window_bounds = array<i64: 1000, 128>}]} {
    %get3A = arith.constant 0 : index
    %get3A_0 = arith.constant 0 : index
    %get3A_1 = vector.load %arg2[%get3A, %get3A_0] : memref<1000x128xf32, #tpu.memory_space<vmem>>, vector<1000x128xf32>
    %get3A_2 = arith.constant 0 : index
    %get3A_3 = arith.constant 0 : index
    %get3A_4 = arith.constant 0 : index
    %get3A_5 = vector.load %arg3[%get3A_2, %get3A_3, %get3A_4] : memref<1x128x128xf32, #tpu.memory_space<vmem>>, vector<1x128x128xf32>
    %get3A_6 = vector.shape_cast %get3A_5 : vector<1x128x128xf32> to vector<128x128xf32>
    %dot_general3A = arith.constant dense<0.000000e+00> : vector<1000x128xf32>
    %dot_general3A_7 = tpu.matmul %get3A_1, %get3A_6, %dot_general3A {dimension_numbers = #tpu.dot_dimension_numbers<[1], [0], [0], [1], [0, 0, 1, 1], [], []>, precision = #tpu.contract_precision<fp32>, transpose_lhs_hint = false} : vector<1000x128xf32>, vector<128x128xf32>, vector<1000x128xf32> -> vector<1000x128xf32>
    %swap3A = arith.constant 0 : index
    %swap3A_8 = arith.constant 0 : index
    %swap3A_9 = vector.load %arg4[%swap3A, %swap3A_8] : memref<1000x128xf32, #tpu.memory_space<vmem>>, vector<1000x128xf32>
    tpu.vector_store %arg4[%swap3A, %swap3A_8], %dot_general3A_7 {strides = array<i32>} : memref<1000x128xf32, #tpu.memory_space<vmem>>, vector<1000x128xf32>,
    return
  }
  func.func @transform_0(%arg0: i32, %arg1: i32) -> (i32, i32) {
    %mul3A = arith.constant 10 : i32
    %mul3A_0 = arith.muli %arg0, %mul3A : i32
    %add3A = arith.addi %mul3A_0, %arg1 : i32
    %c0_i32 = arith.constant 0 : i32
    %c0_i32_1 = arith.constant 0 : i32
    return %add3A, %c0_i32 : i32, i32
  }
  func.func @transform_1(%arg0: i32, %arg1: i32) -> (i32, i32, i32) {
    %c0_i32 = arith.constant 0 : i32
    %c0_i32_0 = arith.constant 0 : i32
    %c0_i32_1 = arith.constant 0 : i32
    return %arg0, %c0_i32, %c0_i32_0 : i32, i32, i32
  }
  func.func @transform_2(%arg0: i32, %arg1: i32) -> (i32, i32) {
    %mul3A = arith.constant 10 : i32
    %mul3A_0 = arith.muli %arg0, %mul3A : i32
    %add3A = arith.addi %mul3A_0, %arg1 : i32
    %c0_i32 = arith.constant 0 : i32
    %c0_i32_1 = arith.constant 0 : i32
    return %add3A, %c0_i32 : i32, i32
  }
}

module attributes {stable_mosaic.version = 14 : i64} {
  func.func @_combine_body(%arg0: i32, %arg1: i32, %arg2: memref<1000x128xf32, #tpu.memory_space<vmem>>, %arg3: memref<1x128x128xf32, #tpu.memory_space<vmem>>, %arg4: memref<1x1000x128xf32, #tpu.memory_space<vmem>>, %arg5: memref<1x1000x16xf32, #tpu.memory_space<vmem>>, %arg6: memref<1x1000x128xf32, #tpu.memory_space<vmem>>) attributes {dimension_semantics = [#tpu.dimension_semantics<arbitrary>, #tpu.dimension_semantics<arbitrary>], iteration_bounds = array<i64: 2, 10>, scalar_prefetch = 0 : i64, scratch_operands = 0 : i64, tpu.core_type = #tpu.core_type<tc>, window_params = [{transform_indices = @transform_0, window_bounds = array<i64: 1000, 128>}, {transform_indices = @transform_1, window_bounds = array<i64: 1, 128, 128>}, {transform_indices = @transform_2, window_bounds = array<i64: 1, 1000, 128>}, {transform_indices = @transform_3, window_bounds = array<i64: 1, 1000, 16>}, {transform_indices = @transform_4, window_bounds = array<i64: 1, 1000, 128>}]} {
    %get3A = arith.constant 0 : index
    %get3A_0 = arith.constant 0 : index
    %get3A_1 = vector.load %arg2[%get3A, %get3A_0] : memref<1000x128xf32, #tpu.memory_space<vmem>>, vector<1000x128xf32>
    %get3A_2 = arith.constant 0 : index
    %get3A_3 = arith.constant 0 : index
    %get3A_4 = arith.constant 0 : index
    %get3A_5 = vector.load %arg3[%get3A_2, %get3A_3, %get3A_4] : memref<1x128x128xf32, #tpu.memory_space<vmem>>, vector<1x128x128xf32>
    %get3A_6 = vector.shape_cast %get3A_5 : vector<1x128x128xf32> to vector<128x128xf32>
    %dot_general3A = arith.constant dense<0.000000e+00> : vector<1000x128xf32>
    %dot_general3A_7 = tpu.matmul %get3A_1, %get3A_6, %dot_general3A {dimension_numbers = #tpu.dot_dimension_numbers<[1], [0], [0], [1], [0, 0, 1, 1], [], []>, precision = #tpu.contract_precision<fp32>, transpose_lhs_hint = false} : vector<1000x128xf32>, vector<128x128xf32>, vector<1000x128xf32> -> vector<1000x128xf32>
    %get3A_8 = arith.constant 0 : index
    %get3A_9 = arith.constant 0 : index
    %get3A_10 = arith.constant 0 : index
    %get3A_11 = vector.load %arg5[%get3A_8, %get3A_9, %get3A_10] : memref<1x1000x16xf32, #tpu.memory_space<vmem>>, vector<1x1000x16xf32>
    %get3A_12 = vector.shape_cast %get3A_11 : vector<1x1000x16xf32> to vector<1000x16xf32>
    %slice3A = vector.extract_strided_slice %get3A_12 {offsets = [0, 0], sizes = [1000, 1], strides = [1, 1]} : vector<1000x16xf32> to vector<1000x1xf32>
    %get3A_13 = arith.constant 0 : index
    %get3A_14 = arith.constant 0 : index
    %get3A_15 = arith.constant 0 : index
    %get3A_16 = vector.load %arg4[%get3A_13, %get3A_14, %get3A_15] : memref<1x1000x128xf32, #tpu.memory_space<vmem>>, vector<1x1000x128xf32>
    %get3A_17 = vector.shape_cast %get3A_16 : vector<1x1000x128xf32> to vector<1000x128xf32>
    %max3A = arith.constant 1.000000e+00 : f32
    %max3A_18 = vector.broadcast %max3A : f32 to vector<1000x1xf32>
    %max3A_19 = arith.maximumf %slice3A, %max3A_18 : vector<1000x1xf32>
    %div3A = vector.broadcast %max3A_19 : vector<1000x1xf32> to vector<1000x128xf32>
    %div3A_20 = arith.divf %get3A_17, %div3A : vector<1000x128xf32>
    %add3A = arith.addf %dot_general3A_7, %div3A_20 : vector<1000x128xf32>
    %max3A_21 = arith.constant 0.000000e+00 : f32
    %max3A_22 = vector.broadcast %max3A_21 : f32 to vector<1000x128xf32>
    %max3A_23 = arith.maximumf %add3A, %max3A_22 : vector<1000x128xf32>
    %swap3A = arith.constant 0 : index
    %swap3A_24 = arith.constant 0 : index
    %swap3A_25 = arith.constant 0 : index
    %swap3A_26 = vector.load %arg6[%swap3A, %swap3A_24, %swap3A_25] : memref<1x1000x128xf32, #tpu.memory_space<vmem>>, vector<1x1000x128xf32>
    %swap3A_27 = vector.shape_cast %swap3A_26 : vector<1x1000x128xf32> to vector<1000x128xf32>
    %swap3A_28 = vector.shape_cast %max3A_23 : vector<1000x128xf32> to vector<1x1000x128xf32>
    tpu.vector_store %arg6[%swap3A, %swap3A_24, %swap3A_25], %swap3A_28 {strides = array<i32>} : memref<1x1000x128xf32, #tpu.memory_space<vmem>>, vector<1x1000x128xf32>,
    return
  }
  func.func @transform_0(%arg0: i32, %arg1: i32) -> (i32, i32) {
    %sub3A = arith.constant 1 : i32
    %sub3A_0 = arith.subi %sub3A, %arg0 : i32
    %mul3A = arith.constant 10 : i32
    %mul3A_1 = arith.muli %sub3A_0, %mul3A : i32
    %add3A = arith.addi %mul3A_1, %arg1 : i32
    %c0_i32 = arith.constant 0 : i32
    %c0_i32_2 = arith.constant 0 : i32
    return %add3A, %c0_i32 : i32, i32
  }
  func.func @transform_1(%arg0: i32, %arg1: i32) -> (i32, i32, i32) {
    %c0_i32 = arith.constant 0 : i32
    %c0_i32_0 = arith.constant 0 : i32
    %c0_i32_1 = arith.constant 0 : i32
    return %arg0, %c0_i32, %c0_i32_0 : i32, i32, i32
  }
  func.func @transform_2(%arg0: i32, %arg1: i32) -> (i32, i32, i32) {
    %c0_i32 = arith.constant 0 : i32
    %c0_i32_0 = arith.constant 0 : i32
    return %arg0, %arg1, %c0_i32 : i32, i32, i32
  }
  func.func @transform_3(%arg0: i32, %arg1: i32) -> (i32, i32, i32) {
    %c0_i32 = arith.constant 0 : i32
    %c0_i32_0 = arith.constant 0 : i32
    return %arg0, %arg1, %c0_i32 : i32, i32, i32
  }
  func.func @transform_4(%arg0: i32, %arg1: i32) -> (i32, i32, i32) {
    %c0_i32 = arith.constant 0 : i32
    %c0_i32_0 = arith.constant 0 : i32
    return %arg0, %arg1, %c0_i32 : i32, i32, i32
  }
}

</mosaic_0001>

<sc_bundles>
// kernel: kernel.5.cloned.1.call-start
scs
__scs_entry_jumppad:
0x0: {  	(pc) =	sbr.rel $0x88, $3  }
0x1: {  	(tag) =	ssettag $0x0;
	lr =	simm.s32 $0x1  }
0x2: {  	[smem:$0x3F99] =	sst lr;
	_ =	strace $0xD0000000  }
0x3: {  	_ = 	snop  }
0x4: {  	_ = 	snop  }
0x5: {  	_ = 	snop  }
0x6: {  	_ = 	snop  }
0x7: {  	_ = 	snop  }
__scs_overlays_trampoline_lowered:
0x8: {  	[smem:$0x3FA8] =	sst s0  }
0x9: {  	[smem:$0x3FA9] =	sst s1  }
0xa: {  	[smem:$0x3FAA] =	sst s2  }
0xb: {  	[smem:$0x3FAB] =	sst s3  }
0xc: {  	[smem:$0x3FAC] =	sst s4  }
0xd: {  	[smem:$0x3FAD] =	sst s5  }
0xe: {  	[smem:$0x3FAE] =	sst s6  }
0xf: {  	[smem:$0x3FAF] =	sst s7  }
0x10: {  	[smem:$0x3FB0] =	sst s8  }
0x11: {  	[smem:$0x3FB1] =	sst s9;
	s0 =	simm.s32 @!p0 $0x0  }
0x12: {  	s1 =	sld [smem:$0x3F97];
	s0 =	simm.s32 @p0 $0x1  }
0x13: {  	[smem:$0x3FB2] =	sst s0;
	s0 =	simm.s32 @!p1 $0x0  }
0x14: {  	s2 =	sld [smem:$0x3F96];
	s0 =	simm.s32 @p1 $0x1  }
0x15: {  	[smem:$0x3FB3] =	sst s0;
	s0 =	simm.s32 @!p2 $0x0  }
0x16: {  	s3 =	sld [smem:$0x3FDB];
	s0 =	simm.s32 @p2 $0x1  }
0x17: {  	s4 =	simm.s32 $0x1BF5;
	[smem:$0x3FB5] =	sst s0  }
0x18: {  	s0 =	sld [smem:$0x3F98];
	_ =	swait.ge [sflag:s4], $0x0  }
0x19: {  	s7 =	sld [smem:$0x3F99]  }
0x1a: {  	s8 =	sadd.s32 $0xFFFFE003, lr  }
0x1b: {  	s9 =	sadd.s32 $0xFFFFFEF7, lr;
	s5 =	simm.s32 $0xFFFFFFFF;
	p2 =	slt.u32 s8, $0xFFFFF086  }
0x1c: {  	p1 =	slt.u32 s9, $0xF7A;
	s5 =	simm.s32 @!p2 $0x0  }
0x1d: {  	s5 =	simm.s32 @p1 $0x1;
	p0 =	seq.s32 s7, s2  }
0x1e: {  	s7 =	smul.u32 @!p0 $0xF7A, s2;
	p2 =	seq.s32 @!p0 s5, $0x0  }
0x1f: {  	s9 =	smul.u32 $0xF7A, s1;
	s8 =	simm.s32 @!p0 $0x1BF5;
	p2 =	por !p2, p0  }
0x20: {  	[sflag:s8] =	ssyncset.s32 @!p0 $0xFFFFF086;
	s6 =	sadd.s32 @!p0 s3, s7;
	s7 =	simm.s32 @!p0 $0x108  }
0x21: {  	s3 =	sadd.s32 s3, s9;
	s6 =	sadd.s32 @!p0 $0x88, s6;
	s7 =	simm.s32 @p2 $0x1082  }
0x22: {  	[simem:s7], [sflag:s8] =	dma.local @!p0 [hbm:s6], $0xF7A  }
0x23: {  	s9 =	sor.u32 $0xD0000000, s2;
	s6 =	simm.s32 $0x108;
	_ =	swait.ge @!p0 [sflag:s8], $0x0  }
0x24: {  	s3 =	sadd.s32 $0x88, s3;
	s6 =	simm.s32 @!p1 $0x1082;
	[sflag:s4] =	ssyncset.s32 $0xFFFFF086  }
0x25: {  	[simem:s6], [sflag:s4] =	dma.local [hbm:s3], $0xF7A  }
0x26: {  	[smem:$0x3F99] =	sst s1;
	(tag) =	ssettag s2;
	_ =	strace s9  }
0x27: {  	s1 =	sld [smem:$0x3FA9]  }
0x28: {  	s2 =	sld [smem:$0x3FAA]  }
0x29: {  	s4 =	sld [smem:$0x3FAC]  }
0x2a: {  	p0 =	seq.s32 s5, $0x0;
	s5 =	sld [smem:$0x3FAD]  }
0x2b: {  	s6 =	sld [smem:$0x3FAE]  }
0x2c: {  	s7 =	sld [smem:$0x3FAF]  }
0x2d: {  	s3 =	simm.s32 $0x108;
	s8 =	sld [smem:$0x3FB0]  }
0x2e: {  	s3 =	simm.s32 @!p0 $0x1082;
	s9 =	sld [smem:$0x3FB1]  }
0x2f: {  	lr =	sadd.s32 s0, s3;
	s0 =	sld [smem:$0x3FA8]  }
0x30: {  	s3 =	sld [smem:$0x3FAB]  }
0x31: {  	[smem:$0x3FB4] =	sst s10  }
0x32: {  	s10 =	sld [smem:$0x3FB2];
	_ =	sdelay $0x3  }
0x33: {  	p0 =	seq.s32 s10, $0x1;
	s10 =	sld [smem:$0x3FB4];
	_ =	sdelay $0x3  }
0x34: {  	[smem:$0x3FB4] =	sst s10  }
0x35: {  	s10 =	sld [smem:$0x3FB3];
	_ =	sdelay $0x3  }
0x36: {  	p1 =	seq.s32 s10, $0x1;
	s10 =	sld [smem:$0x3FB4];
	_ =	sdelay $0x3  }
0x37: {  	[smem:$0x3FB4] =	sst s10  }
0x38: {  	s10 =	sld [smem:$0x3FB5]  }
0x39: {  	_ = 	snop;
	(pc) =	sbr.ind lr, $3  }
0x3a: {  	_ = 	snop  }
0x3b: {  	_ = 	snop  }
0x3c: {  	p2 =	seq.s32 s10, $0x1;
	s10 =	sld [smem:$0x3FB4]  }
0x3d: {  	_ =	shalt  }
0x3e: {  	_ =	shalt  }
0x3f: {  	_ =	shalt  }
0x40: {  	_ =	shalt  }
0x41: {  	_ =	shalt  }
0x42: {  	_ =	shalt  }
0x43: {  	_ =	shalt  }
0x44: {  	_ =	shalt  }
0x45: {  	_ =	shalt  }
0x46: {  	_ =	shalt  }
0x47: {  	_ =	shalt  }
0x48: {  	_ =	shalt  }
0x49: {  	_ =	shalt  }
0x4a: {  	_ =	shalt  }
0x4b: {  	_ =	shalt  }
0x4c: {  	_ =	shalt  }
0x4d: {  	_ =	shalt  }
0x4e: {  	_ =	shalt  }
0x4f: {  	_ =	shalt  }
0x50: {  	_ =	shalt  }
0x51: {  	_ =	shalt  }
0x52: {  	_ =	shalt  }
0x53: {  	_ =	shalt  }
0x54: {  	_ =	shalt  }
0x55: {  	_ =	shalt  }
0x56: {  	_ =	shalt  }
0x57: {  	_ =	shalt  }
0x58: {  	_ =	shalt  }
0x59: {  	_ =	shalt  }
0x5a: {  	_ =	shalt  }
0x5b: {  	_ =	shalt  }
0x5c: {  	_ =	shalt  }
0x5d: {  	_ =	shalt  }
0x5e: {  	_ =	shalt  }
0x5f: {  	_ =	shalt  }
0x60: {  	_ =	shalt  }
0x61: {  	_ =	shalt  }
0x62: {  	_ =	shalt  }
0x63: {  	_ =	shalt  }
0x64: {  	_ =	shalt  }
0x65: {  	_ =	shalt  }
0x66: {  	_ =	shalt  }
0x67: {  	_ =	shalt  }
0x68: {  	_ =	shalt  }
0x69: {  	_ =	shalt  }
0x6a: {  	_ =	shalt  }
0x6b: {  	_ =	shalt  }
0x6c: {  	_ =	shalt  }
0x6d: {  	_ =	shalt  }
0x6e: {  	_ =	shalt  }
0x6f: {  	_ =	shalt  }
0x70: {  	_ =	shalt  }
0x71: {  	_ =	shalt  }
0x72: {  	_ =	shalt  }
0x73: {  	_ =	shalt  }
0x74: {  	_ =	shalt  }
0x75: {  	_ =	shalt  }
0x76: {  	_ =	shalt  }
0x77: {  	_ =	shalt  }
0x78: {  	_ =	shalt  }
0x79: {  	_ =	shalt  }
0x7a: {  	_ =	shalt  }
0x7b: {  	_ =	shalt  }
0x7c: {  	_ =	shalt  }
0x7d: {  	_ =	shalt  }
0x7e: {  	_ =	shalt  }
0x7f: {  	_ =	shalt  }
0x80: {  	_ =	shalt  }
0x81: {  	_ =	shalt  }
0x82: {  	_ =	shalt  }
0x83: {  	_ =	shalt  }
0x84: {  	_ =	shalt  }
0x85: {  	_ =	shalt  }
0x86: {  	_ =	shalt  }
0x87: {  	_ =	shalt  }
.Lfunc_end0:
.L_simem_size_0:
called_computation.2_lowered:
.L_overlay_start_0:
0x88: {  	s2 =	sld [smem:$0x3FD9]  }
0x89: {  	s3 =	sld [smem:$0x3FFE];
	_ =	sdelay $0x1  }
0x8a: {  	s1 =	srdreg.scid  }
0x8b: {  	s0 =	sand.u32 $0x1, s1  }
0x8c: {  	s17 =	sshll.u32 s0, $0xA;
	s2 =	sadd.s32 s3, s2  }
0x8d: {  	s2 =	sadd.s32 s2, s17  }
0x8e: {  	[smem:$0x3FC0] =	sst s2  }
0x8f: {  	_ = 	snop  }
0x90: {  	(tm) =	ssettm $0x1  }
0x91: {  	s18 =	sld [smem:$0x3FFB];
	_ =	sdelay $0x3  }
0x92: {  	_ =	strace s18  }
0x93: {  	s2 =	sld [smem:$0x3FFC];
	_ =	sdelay $0x3  }
0x94: {  	_ =	strace s2  }
0x95: {  	s2 =	sld [smem:$0x3FFD];
	_ =	sdelay $0x3  }
0x96: {  	_ =	strace s2  }
0x97: {  	_ =	strace $0x8FFFFFFF  }
0x98: {  	s19 =	sld [smem:$0x3FDB];
	_ =	sdelay $0x1  }
0x99: {  	s20 =	simm.s32 $_scs_section_size  }
0x9a: {  	s4 =	simm.s32 $_size__tile_overlayer_lowered;
	s5 =	simm.s32 $_tile_overlayer_lowered  }
0x9b: {  	s6 =	simm.s32 $0x1BFF;
	s21 =	sshll.u32 s5, $0x1;
	s3 =	sadd.s32 s20, s19  }
0x9c: {  	s22 =	simm.s32 $0x0;
	s4 =	sshll.u32 s4, $0x1;
	s5 =	sadd.s32 s21, s3  }
0x9d: {  	[timem:s22], [sflag:s6] =	dma.local [hbm:s5], s4  }
0x9e: {  	_ =	swait.ge [sflag:s6], s4  }
0x9f: {  	s4 =	ssub.s32 $0x0, s4;
	[sflag:s6] =	ssyncset.done $0x0  }
0xa0: {  	[sflag:s6] =	ssyncadd.s32 s4;
	_ =	sdelay $0x1  }
0xa1: {  	s23 =	simm.s32 $0x1B8B  }
0xa2: {  	_ =	swait.ge [sflag:s23], $0x1  }
0xa3: {  	[sflag:s23] =	ssyncset.done $0x0  }
0xa4: {  	[sflag:s23] =	ssyncadd.s32 $0xFFFFFFFF  }
0xa5: {  	s4 =	sld [smem:$0x0]  }
0xa6: {  	s5 =	sand.u32 $0xFFFFFFFE, s1  }
0xa7: {  	p0 =	sne.s32 s1, s5  }
0xa8: {  	s5 =	sshll.u32 @p0 s5, $0xE  }
0xa9: {  	s5 =	sadd.s32 @p0 $0x11B8D, s5;
	s6 =	sshll.u32 @p0 s4, $0x11  }
0xaa: {  	s5 =	sor.u32 @p0 s6, s5  }
0xab: {  	[sflag:s5] =	ssyncadd.remote.s32 @p0 $0x1;
	_ =	sdelay $0x1  }
0xac: {  	s5 =	simm.s32 @p0 $0x1B8D  }
0xad: {  	_ =	swait.eq @p0 [sflag:s5], $0x1  }
0xae: {  	[sflag:s5] =	ssyncadd.s32 @p0 $0xFFFFFFFF  }
0xaf: {  	s6 =	sshll.u32 @!p0 s1, $0xE  }
0xb0: {  	s6 =	sor.u32 @!p0 $0x4000, s6;
	s5 =	simm.s32 @!p0 $0x1B8D  }
0xb1: {  	s4 =	sshll.u32 @!p0 s4, $0x11;
	s6 =	sadd.s32 @!p0 $0x11B8D, s6;
	_ =	swait.eq @!p0 [sflag:s5], $0x1  }
0xb2: {  	s4 =	sor.u32 @!p0 s4, s6;
	[sflag:s5] =	ssyncadd.s32 @!p0 $0xFFFFFFFF  }
0xb3: {  	s25 =	simm.s32 $0x1B8E;
	s24 =	sld [smem:$0x3FFE];
	[sflag:s4] =	ssyncadd.remote.s32 @!p0 $0x1  }
0xb4: {  	s26 =	simm.s32 $execute0_lowered;
	[smem:$0x3FD2] =	sst s25  }
0xb5: {  	s5 =	sshll.u32 s26, $0x1;
	_ =	strace $0x80000052;
	[dreg:$0x1] =	wrdreg $0xFFFFFFFF  }
0xb6: {  	s28 =	simm.s32 $_size_execute0_lowered;
	s3 =	sadd.s32 s3, s5;
	[dreg:$0x0] =	wrdreg $0x0  }
0xb7: {  	s5 =	sshll.u32 s28, $0x1;
	[dreg:$0x2] =	wrdreg s3  }
0xb8: {  	[dreg:$0x3] =	wrdreg s5  }
0xb9: {  	[dreg:$0x4] =	wrdreg $0xC0  }
0xba: {  	_ =	task [dreg:s22], $0x5FFFF  }
0xbb: {  	[dreg:$0x1] =	wrdreg $0xFFFFFFFF  }
0xbc: {  	[dreg:$0x0] =	wrdreg $0x60  }
0xbd: {  	[dreg:$0x2] =	wrdreg s24  }
0xbe: {  	[dreg:$0x3] =	wrdreg $0x42000  }
0xbf: {  	[dreg:$0x4] =	wrdreg $0xD  }
0xc0: {  	_ =	task.clear_ibuf [dreg:s22], $0x5FFFF;
	_ =	strace $0x90000052  }
0xc1: {  	s29 =	simm.s32 $0xD;
	_ =	strace $0x80000054  }
0xc2: {  	_ =	swait.ge [sflag:s29], $0x1  }
0xc3: {  	[sflag:s29] =	ssyncadd.s32 $0xFFFFFFFF  }
0xc4: {  	_ =	strace $0x90000054  }
0xc5: {  	_ =	sfence  }
0xc6: {  	s30 =	sld [smem:$0x0];
	_ =	sdelay $0x2  }
0xc7: {  	s31 =	sshll.u32 s1, $0xD;
	s1 =	sshrl.u32 s1, $0x2  }
0xc8: {  	s4 =	sand.u32 $0x4000, s31;
	s1 =	sadd.s32 s1, s30  }
0xc9: {  	s0 =	sor.u32 s4, s0;
	s1 =	sshll.u32 s1, $0x11  }
0xca: {  	s0 =	sor.u32 s1, s0  }
0xcb: {  	s0 =	sadd.s32 $0x8F2B, s0  }
0xcc: {  	[sflag:s0] =	ssyncadd.remote.s32 $0x1  }
0xcd: {  	_ =	sfence.sel $0xFFFF  }
0xce: {  	[dreg:$0x0] =	wrdreg $0xFFFFFFFF;
	(pc) =	sbr.abs _section_cstart, $3  }
0xcf: {  	[dreg:$0x1] =	wrdreg $0xFFFFFFFF  }
0xd0: {  	_ =	task.clear_ibuf [dreg:s22], $0x2FFFF;
	_ =	strace $0x9FFFFFFF  }
0xd1: {  	(tm) =	ssettm $0x7FFFFFFF  }
tec
execute0_lowered:
.L_overlay_start_1:
0x0: {  	(tag) =	ssettag $0x1  }
0x1: {  	s0 =	srdreg.scid;
	s3 =	rddreg [dreg:$0x0]  }
0x2: {  	s18 =	stileid.u32;
	s1 =	rddreg [dreg:$0x1];
	s2 =	simm.s32 $0x0  }
0x3: {  	s31 =	simm.s32 $0x5;
	s0 =	sand.u32 $0x1, s0;
	s5 =	smul.u32 $0x14000, s18  }
0x4: {  	[smem:$0x7FF] =	sst s2;
	s4 =	smul.u32 $0x140000, s0;
	s0 =	ssub.s32 $0x2, s0  }
0x5: {  	s6 =	sadd.s32 $0x106000, s3;
	s7 =	sshrl.u32 s0, $0x1;
	s9 =	sor.u32 $0x2000, s5  }
0x6: {  	s11 =	sadd.s32 $0x4000, s5;
	s12 =	sadd.s32 $0x6000, s5;
	s25 =	sadd.s32 $0xC000, s5  }
0x7: {  	s28 =	sadd.s32 $0x10000, s5;
	s8 =	sadd.s32 s5, s4;
	s0 =	ssub.s32 s0, s7  }
0x8: {  	s10 =	sadd.s32 s4, s9;
	s13 =	sadd.s32 s4, s11;
	s14 =	sadd.s32 s4, s12  }
0x9: {  	s26 =	sadd.s32 s4, s28;
	s28 =	sadd.s32 s28, s1;
	s7 =	sshrl.u32 s8, $0x3  }
0xa: {  	s10 =	sshrl.u32 s10, $0x3;
	s15 =	sshrl.u32 s13, $0x3;
	s16 =	sshrl.u32 s14, $0x3  }
0xb: {  	s30 =	smax.u32 s0, $0x1;
	s0 =	simm.s32 $0x1;
	s10 =	sadd.s32 s6, s10  }
0xc: {  	s17 =	sadd.s32 s6, s16;
	s16 =	sor.u32 $0x100, s8;
	[dreg:$0x3] =	wrdreg s10  }
0xd: {  	s8 =	simm.s32 $0x80;
	s10 =	sadd.s32 s6, s15;
	[dreg:$0x5] =	wrdreg s17  }
0xe: {  	s17 =	sadd.s32 $0xA000, s5;
	s15 =	sadd.s32 s4, s25;
	s25 =	sadd.s32 s25, s1  }
0xf: {  	[dreg:$0x4] =	wrdreg s10;
	s10 =	sadd.s32 $0x8000, s5;
	s20 =	sadd.s32 s4, s17  }
0x10: {  	s22 =	sshrl.u32 s15, $0x3;
	s15 =	sshrl.u32 s26, $0x3;
	s26 =	sadd.s32 s11, s1  }
0x11: {  	s11 =	simm.s32 $0x100;
	s19 =	sadd.s32 s4, s10;
	s21 =	sshrl.u32 s20, $0x3  }
0x12: {  	s23 =	sadd.s32 s6, s22;
	s20 =	smul.u32 $0x50000, s18;
	s22 =	sshll.u32 s18, $0x6  }
0x13: {  	s13 =	sshrl.u32 s19, $0x3;
	[dreg:$0x8] =	wrdreg s23;
	s19 =	sadd.s32 $0xB3800, s3  }
0x14: {  	s23 =	sor.u32 $0x1C05, s22;
	s22 =	sadd.s32 s12, s1;
	s13 =	sadd.s32 s6, s13  }
0x15: {  	s12 =	simm.s32 $0x0;
	[dreg:$0x6] =	wrdreg s13;
	s13 =	sadd.s32 s6, s21  }
0x16: {  	s21 =	sshrl.u32 s20, $0x2;
	[dreg:$0x7] =	wrdreg s13;
	s13 =	sadd.s32 $0xE000, s5  }
0x17: {  	s5 =	sadd.s32 $0x12000, s5;
	s18 =	sadd.s32 s21, s1;
	s24 =	sadd.s32 s4, s13  }
0x18: {  	s4 =	sadd.s32 s4, s5;
	s29 =	sadd.s32 s5, s1;
	s14 =	sshrl.u32 s24, $0x3  }
0x19: {  	s5 =	simm.s32 $0x2;
	s4 =	sshrl.u32 s4, $0x3;
	s14 =	sadd.s32 s6, s14  }
0x1a: {  	s24 =	sadd.s32 s9, s1;
	s4 =	sadd.s32 s6, s4;
	[dreg:$0x9] =	wrdreg s14  }
0x1b: {  	s9 =	simm.s32 $0x4;
	s14 =	sadd.s32 s6, s15;
	[dreg:$0xb] =	wrdreg s4  }
0x1c: {  	s6 =	sadd.s32 s6, s7;
	s4 =	sshrl.u32 s16, $0x3;
	[dreg:$0xa] =	wrdreg s14  }
0x1d: {  	s16 =	sadd.s32 $0x63200, s3;
	s3 =	sadd.s32 $0x103800, s3;
	[dreg:$0xc] =	wrdreg s6  }
0x1e: {  	s15 =	sadd.s32 s7, s19;
	_ =	strace $0x80000053;
	[dreg:$0xd] =	wrdreg s3  }
0x1f: {  	s7 =	simm.s32 $0x3;
	s14 =	sadd.s32 s4, s19;
	[dreg:$0xe] =	wrdreg s23  }
0x20: {  	s4 =	simm.s32 $0x200;
	s6 =	simm.s32 $0x2200;
	[dreg:$0xf] =	wrdreg s24  }
0x21: {  	[dreg:$0x10] =	wrdreg s26;
	s23 =	sadd.s32 s10, s1;
	s24 =	sadd.s32 s17, s1  }
0x22: {  	s26 =	sadd.s32 s13, s1;
	s3 =	simm.s32 $0x40;
	s10 =	simm.s32 $0x180  }
.LBB2_1:
0x23: {  	s17 =	rddreg [dreg:$0xd]  }
0x24: {  	s13 =	sshrl.u32 s18, $0x3;
	s19 =	rddreg [dreg:$0xe]  }
0x25: {  	[spmem:s13], [sflag:s19] =	dma.local [hbm:s17], $0x2800  }
0x26: {  	_ =	swait.ge [sflag:s31], $0x2800  }
0x27: {  	[sflag:s31] =	ssyncset.done $0x0  }
0x28: {  	[sflag:s31] =	ssyncadd.s32 $0xFFFFD800  }
0x29: {  	s20 =	sadd.s32 $0x0, s15;
	[bflag:$0x0] =	sbarrier.arrive $0xFFFF  }
0x2a: {  	[tilespmem:s2], [sflag:$0x1] =	stream.linear.gather [hbm4b:s20+s2], $0x100, $0x38;
	[tilespmem:$0x18200] =	vst v63  }
0x2b: {  	s21 =	sadd.s32 $0x0, s14  }
0x2c: {  	[tilespmem:s11], [sflag:$0x2] =	stream.linear.gather [hbm4b:s21+s2], $0x100, $0x38;
	[tilespmem:$0x18200] =	vst v63  }
0x2d: {  	_ =	swait.ge [sflag:s0], $0x100  }
0x2e: {  	[sflag:s0] =	ssyncset.done $0x0  }
0x2f: {  	[sflag:s0] =	ssyncadd.s32 $0xFFFFFF00  }
0x30: {  	[tilespmem:s4], [sflag:$0x3] =	stream.indirect.gather [hbm4b:s16+s3], $0x80, s2, s3, $0xb8;
	[tilespmem:$0x18200] =	vst v63  }
0x31: {  	_ =	swait.ge [sflag:s5], $0x100  }
0x32: {  	[sflag:s5] =	ssyncset.done $0x0  }
0x33: {  	[sflag:s5] =	ssyncadd.s32 $0xFFFFFF00  }
0x34: {  	[tilespmem:s6], [sflag:$0x4] =	stream.indirect.gather [hbm4b:s16+s3], $0x80, s11, s3, $0xb8;
	[tilespmem:$0x18200] =	vst v63  }
0x35: {  	_ =	swait.ge [sflag:s7], $0x2000  }
0x36: {  	[sflag:s7] =	ssyncset.done $0x0  }
0x37: {  	[sflag:s7] =	ssyncadd.s32 $0xFFFFE000  }
0x38: {  	[spmem:s1] =	stream.indirect.scatter.add.f32 [tilespmem:s4], [sflag:$0x5], $0x80, s8, s3, $0xb8;
	[tilespmem:$0x18200] =	vst v63  }
0x39: {  	_ =	swait.ge [sflag:s31], $0x2000  }
0x3a: {  	[sflag:s31] =	ssyncset.done $0x0  }
0x3b: {  	[sflag:s31] =	ssyncadd.s32 $0xFFFFE000  }
0x3c: {  	_ =	swait.ge [sflag:s9], $0x2000  }
0x3d: {  	[sflag:s9] =	ssyncset.done $0x0  }
0x3e: {  	[sflag:s9] =	ssyncadd.s32 $0xFFFFE000  }
0x3f: {  	[spmem:s1] =	stream.indirect.scatter.add.f32 [tilespmem:s6], [sflag:$0x5], $0x80, s10, s3, $0xb8;
	[tilespmem:$0x18200] =	vst v63  }
0x40: {  	_ =	swait.ge [sflag:s31], $0x2000  }
0x41: {  	s13 =	simm.s32 $0x40;
	s17 =	simm.s32 $0x80;
	[sflag:s31] =	ssyncset.done $0x0  }
.LBB2_2:
0x42: {  	s19 =	sadd.s32 s13, s15  }
0x43: {  	[sflag:s31] =	ssyncadd.s32 $0xFFFFE000;
	s20 =	smov.u32 s17;
	s21 =	sadd.s32 $0x40, s17  }
0x44: {  	[tilespmem:s2], [sflag:$0x1] =	stream.linear.gather [hbm4b:s19+s2], $0x100, $0x38;
	[tilespmem:$0x18200] =	vst v63  }
0x45: {  	p0 =	sne.s32 s17, $0x27C0;
	s17 =	sadd.s32 s13, s14;
	s13 =	smov.u32 s20  }
0x46: {  	[tilespmem:s11], [sflag:$0x2] =	stream.linear.gather [hbm4b:s17+s2], $0x100, $0x38;
	[tilespmem:$0x18200] =	vst v63  }
0x47: {  	_ =	swait.ge [sflag:s0], $0x100  }
0x48: {  	[sflag:s0] =	ssyncset.done $0x0  }
0x49: {  	[sflag:s0] =	ssyncadd.s32 $0xFFFFFF00  }
0x4a: {  	[tilespmem:s4], [sflag:$0x3] =	stream.indirect.gather [hbm4b:s16+s3], $0x80, s2, s3, $0xb8;
	[tilespmem:$0x18200] =	vst v63  }
0x4b: {  	_ =	swait.ge [sflag:s5], $0x100  }
0x4c: {  	[sflag:s5] =	ssyncset.done $0x0  }
0x4d: {  	[sflag:s5] =	ssyncadd.s32 $0xFFFFFF00  }
0x4e: {  	[tilespmem:s6], [sflag:$0x4] =	stream.indirect.gather [hbm4b:s16+s3], $0x80, s11, s3, $0xb8;
	[tilespmem:$0x18200] =	vst v63  }
0x4f: {  	_ =	swait.ge [sflag:s7], $0x2000  }
0x50: {  	[sflag:s7] =	ssyncset.done $0x0  }
0x51: {  	[sflag:s7] =	ssyncadd.s32 $0xFFFFE000  }
0x52: {  	[spmem:s1] =	stream.indirect.scatter.add.f32 [tilespmem:s4], [sflag:$0x5], $0x80, s8, s3, $0xb8;
	[tilespmem:$0x18200] =	vst v63  }
0x53: {  	_ =	swait.ge [sflag:s31], $0x2000  }
0x54: {  	[sflag:s31] =	ssyncset.done $0x0  }
0x55: {  	[sflag:s31] =	ssyncadd.s32 $0xFFFFE000  }
0x56: {  	_ =	swait.ge [sflag:s9], $0x2000  }
.Ltmp0:
0x57: {  	[sflag:s9] =	ssyncset.done $0x0;
	(pc) =	sbr.rel @p0 .LBB2_2-.Ltmp0, $4  }
0x58: {  	[sflag:s9] =	ssyncadd.s32 $0xFFFFE000  }
0x59: {  	[spmem:s1] =	stream.indirect.scatter.add.f32 [tilespmem:s6], [sflag:$0x5], $0x80, s10, s3, $0xb8;
	[tilespmem:$0x18200] =	vst v63  }
0x5a: {  	_ =	swait.ge [sflag:s31], $0x2000  }
0x5b: {  	s17 =	smov.u32 s21;
	[sflag:s31] =	ssyncset.done $0x0  }
0x5c: {  	s17 =	sadd.s32 s13, s15;
	[sflag:s31] =	ssyncadd.s32 $0xFFFFE000  }
0x5d: {  	[tilespmem:s2], [sflag:$0x1] =	stream.linear.gather [hbm4b:s17+s2], $0x100, $0x38;
	[tilespmem:$0x18200] =	vst v63  }
0x5e: {  	s21 =	sadd.s32 s13, s14  }
0x5f: {  	[tilespmem:s11], [sflag:$0x2] =	stream.linear.gather [hbm4b:s21+s2], $0x100, $0x38;
	[tilespmem:$0x18200] =	vst v63  }
0x60: {  	_ =	swait.ge [sflag:s0], $0x100  }
0x61: {  	[sflag:s0] =	ssyncset.done $0x0  }
0x62: {  	[sflag:s0] =	ssyncadd.s32 $0xFFFFFF00  }
0x63: {  	[tilespmem:s4], [sflag:$0x3] =	stream.indirect.gather [hbm4b:s16+s3], $0x80, s2, s3, $0xb8;
	[tilespmem:$0x18200] =	vst v63  }
0x64: {  	_ =	swait.ge [sflag:s5], $0x100  }
0x65: {  	[sflag:s5] =	ssyncset.done $0x0  }
0x66: {  	[sflag:s5] =	ssyncadd.s32 $0xFFFFFF00  }
0x67: {  	[tilespmem:s6], [sflag:$0x4] =	stream.indirect.gather [hbm4b:s16+s3], $0x80, s11, s3, $0xb8;
	[tilespmem:$0x18200] =	vst v63  }
0x68: {  	_ =	swait.ge [sflag:s7], $0x2000  }
0x69: {  	[sflag:s7] =	ssyncset.done $0x0  }
0x6a: {  	[sflag:s7] =	ssyncadd.s32 $0xFFFFE000  }
0x6b: {  	[spmem:s1] =	stream.indirect.scatter.add.f32 [tilespmem:s4], [sflag:$0x5], $0x80, s8, s3, $0xb8;
	[tilespmem:$0x18200] =	vst v63  }
0x6c: {  	_ =	swait.ge [sflag:s31], $0x2000  }
0x6d: {  	[sflag:s31] =	ssyncset.done $0x0  }
0x6e: {  	[sflag:s31] =	ssyncadd.s32 $0xFFFFE000  }
0x6f: {  	_ =	swait.ge [sflag:s9], $0x2000  }
0x70: {  	[sflag:s9] =	ssyncset.done $0x0  }
0x71: {  	[sflag:s9] =	ssyncadd.s32 $0xFFFFE000  }
0x72: {  	[spmem:s1] =	stream.indirect.scatter.add.f32 [tilespmem:s6], [sflag:$0x5], $0x80, s10, s3, $0xb8;
	[tilespmem:$0x18200] =	vst v63  }
0x73: {  	_ =	swait.ge [sflag:s31], $0x2000  }
0x74: {  	[sflag:s31] =	ssyncset.done $0x0  }
0x75: {  	[sflag:s31] =	ssyncadd.s32 $0xFFFFE000  }
0x76: {  	[bflag:$0x0] =	sbarrier.arrive $0xFFFF  }
0x77: {  	[tilespmem:s4], [sflag:$0x5] =	stream.linear.gather [spmem:s18], $0x2000, $0x38;
	[tilespmem:$0x18200] =	vst v63  }
0x78: {  	_ =	swait.ge [sflag:s31], $0x2000  }
0x79: {  	[sflag:s31] =	ssyncset.done $0x0  }
0x7a: {  	s17 =	rddreg [dreg:$0xc];
	[sflag:s31] =	ssyncadd.s32 $0xFFFFE000  }
0x7b: {  	[hbm4b:s17+s2] =	stream.linear.scatter [tilespmem:s4], [sflag:$0x5], $0x2000, $0x38;
	[tilespmem:$0x18200] =	vst v63  }
0x7c: {  	_ =	swait.ge [sflag:s31], $0x2000  }
0x7d: {  	[sflag:s31] =	ssyncset.done $0x0  }
0x7e: {  	s19 =	rddreg [dreg:$0xf];
	[sflag:s31] =	ssyncadd.s32 $0xFFFFE000  }
0x7f: {  	[tilespmem:s4], [sflag:$0x5] =	stream.linear.gather [spmem:s19], $0x2000, $0x38;
	[tilespmem:$0x18200] =	vst v63  }
0x80: {  	_ =	swait.ge [sflag:s31], $0x2000  }
0x81: {  	[sflag:s31] =	ssyncset.done $0x0  }
0x82: {  	s20 =	rddreg [dreg:$0x3];
	[sflag:s31] =	ssyncadd.s32 $0xFFFFE000  }
0x83: {  	[hbm4b:s20+s2] =	stream.linear.scatter [tilespmem:s4], [sflag:$0x5], $0x2000, $0x38;
	[tilespmem:$0x18200] =	vst v63  }
0x84: {  	_ =	swait.ge [sflag:s31], $0x2000  }
0x85: {  	[sflag:s31] =	ssyncset.done $0x0  }
0x86: {  	s21 =	rddreg [dreg:$0x10];
	[sflag:s31] =	ssyncadd.s32 $0xFFFFE000  }
0x87: {  	[tilespmem:s4], [sflag:$0x5] =	stream.linear.gather [spmem:s21], $0x2000, $0x38;
	[tilespmem:$0x18200] =	vst v63  }
0x88: {  	_ =	swait.ge [sflag:s31], $0x2000  }
0x89: {  	[sflag:s31] =	ssyncset.done $0x0  }
0x8a: {  	s17 =	rddreg [dreg:$0x4];
	[sflag:s31] =	ssyncadd.s32 $0xFFFFE000  }
0x8b: {  	[hbm4b:s17+s2] =	stream.linear.scatter [tilespmem:s4], [sflag:$0x5], $0x2000, $0x38;
	[tilespmem:$0x18200] =	vst v63  }
0x8c: {  	_ =	swait.ge [sflag:s31], $0x2000  }
0x8d: {  	[sflag:s31] =	ssyncset.done $0x0  }
0x8e: {  	[sflag:s31] =	ssyncadd.s32 $0xFFFFE000  }
0x8f: {  	[tilespmem:s4], [sflag:$0x5] =	stream.linear.gather [spmem:s22], $0x2000, $0x38;
	[tilespmem:$0x18200] =	vst v63  }
0x90: {  	_ =	swait.ge [sflag:s31], $0x2000  }
0x91: {  	[sflag:s31] =	ssyncset.done $0x0  }
0x92: {  	s19 =	rddreg [dreg:$0x5];
	[sflag:s31] =	ssyncadd.s32 $0xFFFFE000  }
0x93: {  	[hbm4b:s19+s2] =	stream.linear.scatter [tilespmem:s4], [sflag:$0x5], $0x2000, $0x38;
	[tilespmem:$0x18200] =	vst v63  }
0x94: {  	_ =	swait.ge [sflag:s31], $0x2000  }
0x95: {  	[sflag:s31] =	ssyncset.done $0x0  }
0x96: {  	[sflag:s31] =	ssyncadd.s32 $0xFFFFE000  }
0x97: {  	[tilespmem:s4], [sflag:$0x5] =	stream.linear.gather [spmem:s23], $0x2000, $0x38;
	[tilespmem:$0x18200] =	vst v63  }
0x98: {  	_ =	swait.ge [sflag:s31], $0x2000  }
0x99: {  	[sflag:s31] =	ssyncset.done $0x0  }
0x9a: {  	s20 =	rddreg [dreg:$0x6];
	[sflag:s31] =	ssyncadd.s32 $0xFFFFE000  }
0x9b: {  	[hbm4b:s20+s2] =	stream.linear.scatter [tilespmem:s4], [sflag:$0x5], $0x2000, $0x38;
	[tilespmem:$0x18200] =	vst v63  }
0x9c: {  	_ =	swait.ge [sflag:s31], $0x2000  }
0x9d: {  	[sflag:s31] =	ssyncset.done $0x0  }
0x9e: {  	[sflag:s31] =	ssyncadd.s32 $0xFFFFE000  }
0x9f: {  	[tilespmem:s4], [sflag:$0x5] =	stream.linear.gather [spmem:s24], $0x2000, $0x38;
	[tilespmem:$0x18200] =	vst v63  }
0xa0: {  	_ =	swait.ge [sflag:s31], $0x2000  }
0xa1: {  	[sflag:s31] =	ssyncset.done $0x0  }
0xa2: {  	s21 =	rddreg [dreg:$0x7];
	[sflag:s31] =	ssyncadd.s32 $0xFFFFE000  }
0xa3: {  	[hbm4b:s21+s2] =	stream.linear.scatter [tilespmem:s4], [sflag:$0x5], $0x2000, $0x38;
	[tilespmem:$0x18200] =	vst v63  }
0xa4: {  	_ =	swait.ge [sflag:s31], $0x2000  }
0xa5: {  	[sflag:s31] =	ssyncset.done $0x0  }
0xa6: {  	[sflag:s31] =	ssyncadd.s32 $0xFFFFE000  }
0xa7: {  	[tilespmem:s4], [sflag:$0x5] =	stream.linear.gather [spmem:s25], $0x2000, $0x38;
	[tilespmem:$0x18200] =	vst v63  }
0xa8: {  	_ =	swait.ge [sflag:s31], $0x2000  }
0xa9: {  	[sflag:s31] =	ssyncset.done $0x0  }
0xaa: {  	s17 =	rddreg [dreg:$0x8];
	[sflag:s31] =	ssyncadd.s32 $0xFFFFE000  }
0xab: {  	[hbm4b:s17+s2] =	stream.linear.scatter [tilespmem:s4], [sflag:$0x5], $0x2000, $0x38;
	[tilespmem:$0x18200] =	vst v63  }
0xac: {  	_ =	swait.ge [sflag:s31], $0x2000  }
0xad: {  	[sflag:s31] =	ssyncset.done $0x0  }
0xae: {  	[sflag:s31] =	ssyncadd.s32 $0xFFFFE000  }
0xaf: {  	[tilespmem:s4], [sflag:$0x5] =	stream.linear.gather [spmem:s26], $0x2000, $0x38;
	[tilespmem:$0x18200] =	vst v63  }
0xb0: {  	_ =	swait.ge [sflag:s31], $0x2000  }
0xb1: {  	[sflag:s31] =	ssyncset.done $0x0  }
0xb2: {  	s19 =	rddreg [dreg:$0x9];
	[sflag:s31] =	ssyncadd.s32 $0xFFFFE000  }
0xb3: {  	[hbm4b:s19+s2] =	stream.linear.scatter [tilespmem:s4], [sflag:$0x5], $0x2000, $0x38;
	[tilespmem:$0x18200] =	vst v63  }
0xb4: {  	_ =	swait.ge [sflag:s31], $0x2000  }
0xb5: {  	[sflag:s31] =	ssyncset.done $0x0  }
0xb6: {  	[sflag:s31] =	ssyncadd.s32 $0xFFFFE000  }
0xb7: {  	[tilespmem:s4], [sflag:$0x5] =	stream.linear.gather [spmem:s28], $0x2000, $0x38;
	[tilespmem:$0x18200] =	vst v63  }
0xb8: {  	_ =	swait.ge [sflag:s31], $0x2000  }
0xb9: {  	[sflag:s31] =	ssyncset.done $0x0  }
0xba: {  	s20 =	rddreg [dreg:$0xa];
	[sflag:s31] =	ssyncadd.s32 $0xFFFFE000  }
0xbb: {  	[hbm4b:s20+s2] =	stream.linear.scatter [tilespmem:s4], [sflag:$0x5], $0x2000, $0x38;
	[tilespmem:$0x18200] =	vst v63  }
0xbc: {  	_ =	swait.ge [sflag:s31], $0x2000  }
0xbd: {  	[sflag:s31] =	ssyncset.done $0x0  }
0xbe: {  	[sflag:s31] =	ssyncadd.s32 $0xFFFFE000  }
0xbf: {  	[tilespmem:s4], [sflag:$0x5] =	stream.linear.gather [spmem:s29], $0x2000, $0x38;
	[tilespmem:$0x18200] =	vst v63  }
0xc0: {  	s12 =	sadd.s32 $0x1, s12;
	_ =	swait.ge [sflag:s31], $0x2000  }
0xc1: {  	p0 =	sne.s32 s12, s30;
	[sflag:s31] =	ssyncset.done $0x0  }
.Ltmp1:
0xc2: {  	s21 =	rddreg [dreg:$0xb];
	[sflag:s31] =	ssyncadd.s32 $0xFFFFE000;
	(pc) =	sbr.rel @p0 .LBB2_1-.Ltmp1, $4  }
0xc3: {  	[hbm4b:s21+s2] =	stream.linear.scatter [tilespmem:s4], [sflag:$0x5], $0x2000, $0x38;
	[tilespmem:$0x18200] =	vst v63  }
0xc4: {  	_ =	swait.ge [sflag:s31], $0x2000  }
0xc5: {  	[sflag:s31] =	ssyncset.done $0x0  }
0xc6: {  	[sflag:s31] =	ssyncadd.s32 $0xFFFFE000  }
0xc7: {  	_ =	sfence.sel $0x180000  }
0xc8: {  	[bflag:$0x0] =	sbarrier.arrive $0xFFFF  }
0xc9: {  	_ =	strace $0x90000053  }
0xca: {  	s0 =	stileid.u32;
	[bflag:$0x2] =	sbarrier.arrive $0xFFFF  }
0xcb: {  	p0 =	sne.s32 s0, $0x0;
	s0 =	rddreg [dreg:$0x2]  }
0xcc: {  	s0 =	sadd.s32 @!p0 $0x100000, s0  }
0xcd: {  	[sflag:s0] =	ssyncadd.tile.s32 @!p0 $0x1;
	_ =	shalt  }
.Lfunc_end2:
_tile_overlayer_lowered:
.L_overlay_start_2:
0xce: {  	(tag) =	ssettag $0x2  }
0xcf: {  	s0 =	rddreg [dreg:$0x0];
	s2 =	stileid.u32  }
0xd0: {  	s1 =	rddreg [dreg:$0x1];
	p0 =	sne.s32 s2, $0x0  }
0xd1: {  	s3 =	rddreg [dreg:$0x2];
	[bflag:$0x3] =	sbarrier.arrive $0xFFFF;
	s2 =	simm.s32 @!p0 $0x1C05  }
0xd2: {  	[timem:s3], [sflag:s2] =	dma.local @!p0 [hbm:s0], s1  }
0xd3: {  	s0 =	simm.s32 @!p0 $0x5  }
0xd4: {  	_ =	swait.ge @!p0 [sflag:s0], s1  }
0xd5: {  	s1 =	ssub.s32 @!p0 $0x0, s1;
	[sflag:s0] =	ssyncset.done @!p0 $0x0  }
0xd6: {  	[sflag:s0] =	ssyncadd.s32 @!p0 s1  }
0xd7: {  	[bflag:$0x3] =	sbarrier.arrive $0xFFFF  }
0xd8: {  	_ =	shalt  }

// kernel: scatter_offload_async_start.1
scs
__scs_entry_jumppad:
0x0: {  	(pc) =	sbr.rel $0x88, $3  }
0x1: {  	(tag) =	ssettag $0x0;
	lr =	simm.s32 $0x1  }
0x2: {  	[smem:$0x3F99] =	sst lr;
	_ =	strace $0xD0000000  }
0x3: {  	_ = 	snop  }
0x4: {  	_ = 	snop  }
0x5: {  	_ = 	snop  }
0x6: {  	_ = 	snop  }
0x7: {  	_ = 	snop  }
__scs_overlays_trampoline_lowered:
0x8: {  	[smem:$0x3FA8] =	sst s0  }
0x9: {  	[smem:$0x3FA9] =	sst s1  }
0xa: {  	[smem:$0x3FAA] =	sst s2  }
0xb: {  	[smem:$0x3FAB] =	sst s3  }
0xc: {  	[smem:$0x3FAC] =	sst s4  }
0xd: {  	[smem:$0x3FAD] =	sst s5  }
0xe: {  	[smem:$0x3FAE] =	sst s6  }
0xf: {  	[smem:$0x3FAF] =	sst s7  }
0x10: {  	[smem:$0x3FB0] =	sst s8  }
0x11: {  	[smem:$0x3FB1] =	sst s9;
	s0 =	simm.s32 @!p0 $0x0  }
0x12: {  	s1 =	sld [smem:$0x3F97];
	s0 =	simm.s32 @p0 $0x1  }
0x13: {  	[smem:$0x3FB2] =	sst s0;
	s0 =	simm.s32 @!p1 $0x0  }
0x14: {  	s2 =	sld [smem:$0x3F96];
	s0 =	simm.s32 @p1 $0x1  }
0x15: {  	[smem:$0x3FB3] =	sst s0;
	s0 =	simm.s32 @!p2 $0x0  }
0x16: {  	s3 =	sld [smem:$0x3FDB];
	s0 =	simm.s32 @p2 $0x1  }
0x17: {  	s4 =	simm.s32 $0x1BF5;
	[smem:$0x3FB5] =	sst s0  }
0x18: {  	s0 =	sld [smem:$0x3F98];
	_ =	swait.ge [sflag:s4], $0x0  }
0x19: {  	s7 =	sld [smem:$0x3F99]  }
0x1a: {  	s8 =	sadd.s32 $0xFFFFE003, lr  }
0x1b: {  	s9 =	sadd.s32 $0xFFFFFEF7, lr;
	s5 =	simm.s32 $0xFFFFFFFF;
	p2 =	slt.u32 s8, $0xFFFFF086  }
0x1c: {  	p1 =	slt.u32 s9, $0xF7A;
	s5 =	simm.s32 @!p2 $0x0  }
0x1d: {  	s5 =	simm.s32 @p1 $0x1;
	p0 =	seq.s32 s7, s2  }
0x1e: {  	s7 =	smul.u32 @!p0 $0xF7A, s2;
	p2 =	seq.s32 @!p0 s5, $0x0  }
0x1f: {  	s9 =	smul.u32 $0xF7A, s1;
	s8 =	simm.s32 @!p0 $0x1BF5;
	p2 =	por !p2, p0  }
0x20: {  	[sflag:s8] =	ssyncset.s32 @!p0 $0xFFFFF086;
	s6 =	sadd.s32 @!p0 s3, s7;
	s7 =	simm.s32 @!p0 $0x108  }
0x21: {  	s3 =	sadd.s32 s3, s9;
	s6 =	sadd.s32 @!p0 $0x88, s6;
	s7 =	simm.s32 @p2 $0x1082  }
0x22: {  	[simem:s7], [sflag:s8] =	dma.local @!p0 [hbm:s6], $0xF7A  }
0x23: {  	s9 =	sor.u32 $0xD0000000, s2;
	s6 =	simm.s32 $0x108;
	_ =	swait.ge @!p0 [sflag:s8], $0x0  }
0x24: {  	s3 =	sadd.s32 $0x88, s3;
	s6 =	simm.s32 @!p1 $0x1082;
	[sflag:s4] =	ssyncset.s32 $0xFFFFF086  }
0x25: {  	[simem:s6], [sflag:s4] =	dma.local [hbm:s3], $0xF7A  }
0x26: {  	[smem:$0x3F99] =	sst s1;
	(tag) =	ssettag s2;
	_ =	strace s9  }
0x27: {  	s1 =	sld [smem:$0x3FA9]  }
0x28: {  	s2 =	sld [smem:$0x3FAA]  }
0x29: {  	s4 =	sld [smem:$0x3FAC]  }
0x2a: {  	p0 =	seq.s32 s5, $0x0;
	s5 =	sld [smem:$0x3FAD]  }
0x2b: {  	s6 =	sld [smem:$0x3FAE]  }
0x2c: {  	s7 =	sld [smem:$0x3FAF]  }
0x2d: {  	s3 =	simm.s32 $0x108;
	s8 =	sld [smem:$0x3FB0]  }
0x2e: {  	s3 =	simm.s32 @!p0 $0x1082;
	s9 =	sld [smem:$0x3FB1]  }
0x2f: {  	lr =	sadd.s32 s0, s3;
	s0 =	sld [smem:$0x3FA8]  }
0x30: {  	s3 =	sld [smem:$0x3FAB]  }
0x31: {  	[smem:$0x3FB4] =	sst s10  }
0x32: {  	s10 =	sld [smem:$0x3FB2];
	_ =	sdelay $0x3  }
0x33: {  	p0 =	seq.s32 s10, $0x1;
	s10 =	sld [smem:$0x3FB4];
	_ =	sdelay $0x3  }
0x34: {  	[smem:$0x3FB4] =	sst s10  }
0x35: {  	s10 =	sld [smem:$0x3FB3];
	_ =	sdelay $0x3  }
0x36: {  	p1 =	seq.s32 s10, $0x1;
	s10 =	sld [smem:$0x3FB4];
	_ =	sdelay $0x3  }
0x37: {  	[smem:$0x3FB4] =	sst s10  }
0x38: {  	s10 =	sld [smem:$0x3FB5]  }
0x39: {  	_ = 	snop;
	(pc) =	sbr.ind lr, $3  }
0x3a: {  	_ = 	snop  }
0x3b: {  	_ = 	snop  }
0x3c: {  	p2 =	seq.s32 s10, $0x1;
	s10 =	sld [smem:$0x3FB4]  }
0x3d: {  	_ =	shalt  }
0x3e: {  	_ =	shalt  }
0x3f: {  	_ =	shalt  }
0x40: {  	_ =	shalt  }
0x41: {  	_ =	shalt  }
0x42: {  	_ =	shalt  }
0x43: {  	_ =	shalt  }
0x44: {  	_ =	shalt  }
0x45: {  	_ =	shalt  }
0x46: {  	_ =	shalt  }
0x47: {  	_ =	shalt  }
0x48: {  	_ =	shalt  }
0x49: {  	_ =	shalt  }
0x4a: {  	_ =	shalt  }
0x4b: {  	_ =	shalt  }
0x4c: {  	_ =	shalt  }
0x4d: {  	_ =	shalt  }
0x4e: {  	_ =	shalt  }
0x4f: {  	_ =	shalt  }
0x50: {  	_ =	shalt  }
0x51: {  	_ =	shalt  }
0x52: {  	_ =	shalt  }
0x53: {  	_ =	shalt  }
0x54: {  	_ =	shalt  }
0x55: {  	_ =	shalt  }
0x56: {  	_ =	shalt  }
0x57: {  	_ =	shalt  }
0x58: {  	_ =	shalt  }
0x59: {  	_ =	shalt  }
0x5a: {  	_ =	shalt  }
0x5b: {  	_ =	shalt  }
0x5c: {  	_ =	shalt  }
0x5d: {  	_ =	shalt  }
0x5e: {  	_ =	shalt  }
0x5f: {  	_ =	shalt  }
0x60: {  	_ =	shalt  }
0x61: {  	_ =	shalt  }
0x62: {  	_ =	shalt  }
0x63: {  	_ =	shalt  }
0x64: {  	_ =	shalt  }
0x65: {  	_ =	shalt  }
0x66: {  	_ =	shalt  }
0x67: {  	_ =	shalt  }
0x68: {  	_ =	shalt  }
0x69: {  	_ =	shalt  }
0x6a: {  	_ =	shalt  }
0x6b: {  	_ =	shalt  }
0x6c: {  	_ =	shalt  }
0x6d: {  	_ =	shalt  }
0x6e: {  	_ =	shalt  }
0x6f: {  	_ =	shalt  }
0x70: {  	_ =	shalt  }
0x71: {  	_ =	shalt  }
0x72: {  	_ =	shalt  }
0x73: {  	_ =	shalt  }
0x74: {  	_ =	shalt  }
0x75: {  	_ =	shalt  }
0x76: {  	_ =	shalt  }
0x77: {  	_ =	shalt  }
0x78: {  	_ =	shalt  }
0x79: {  	_ =	shalt  }
0x7a: {  	_ =	shalt  }
0x7b: {  	_ =	shalt  }
0x7c: {  	_ =	shalt  }
0x7d: {  	_ =	shalt  }
0x7e: {  	_ =	shalt  }
0x7f: {  	_ =	shalt  }
0x80: {  	_ =	shalt  }
0x81: {  	_ =	shalt  }
0x82: {  	_ =	shalt  }
0x83: {  	_ =	shalt  }
0x84: {  	_ =	shalt  }
0x85: {  	_ =	shalt  }
0x86: {  	_ =	shalt  }
0x87: {  	_ =	shalt  }
.Lfunc_end0:
.L_simem_size_0:
called_computation.1_lowered:
.L_overlay_start_0:
0x88: {  	s0 =	sld [smem:$0x3FD9]  }
0x89: {  	s1 =	sld [smem:$0x3FFE];
	_ =	sdelay $0x3  }
0x8a: {  	s0 =	sadd.s32 s1, s0  }
0x8b: {  	[smem:$0x3FC0] =	sst s0  }
0x8c: {  	_ = 	snop  }
0x8d: {  	s0 =	sld [smem:$0x3FD0];
	_ =	sdelay $0x2  }
0x8e: {  	s2 =	simm.s32 $0xE;
	s12 =	simm.s32 $0x10  }
0x8f: {  	[smem:s12], [sflag:s2] =	dma.local [hbm:s0], $0x1  }
0x90: {  	_ =	swait.eq [sflag:s2], $0x1  }
0x91: {  	[sflag:s2] =	ssyncset.done $0x0  }
0x92: {  	s13 =	sld [smem:$0x10];
	[sflag:s2] =	ssyncadd.s32 $0xFFFFFFFF  }
0x93: {  	s14 =	sld [smem:$0x11];
	(tm) =	ssettm $0x1  }
0x94: {  	s15 =	sld [smem:$0x3FFB];
	_ =	sdelay $0x3  }
0x95: {  	_ =	strace s15  }
0x96: {  	s0 =	sld [smem:$0x3FFC];
	_ =	sdelay $0x3  }
0x97: {  	_ =	strace s0  }
0x98: {  	s0 =	sld [smem:$0x3FFD];
	_ =	sdelay $0x3  }
0x99: {  	_ =	strace s0  }
0x9a: {  	_ =	strace $0x8FFFFFFF  }
0x9b: {  	s16 =	sld [smem:$0x3FDB];
	_ =	sdelay $0x1  }
0x9c: {  	s3 =	simm.s32 $_scs_section_size  }
0x9d: {  	s4 =	simm.s32 $_size__tile_overlayer_lowered;
	s5 =	simm.s32 $_tile_overlayer_lowered  }
0x9e: {  	s6 =	simm.s32 $0x1BFF;
	s17 =	sshll.u32 s5, $0x1;
	s3 =	sadd.s32 s3, s16  }
0x9f: {  	s18 =	simm.s32 $0x0;
	s4 =	sshll.u32 s4, $0x1;
	s5 =	sadd.s32 s17, s3  }
0xa0: {  	[timem:s18], [sflag:s6] =	dma.local [hbm:s5], s4  }
0xa1: {  	_ =	swait.ge [sflag:s6], s4  }
0xa2: {  	s4 =	ssub.s32 $0x0, s4;
	[sflag:s6] =	ssyncset.done $0x0  }
0xa3: {  	[sflag:s6] =	ssyncadd.s32 s4;
	_ =	sdelay $0x1  }
0xa4: {  	s19 =	simm.s32 $0x1B8B  }
0xa5: {  	_ =	swait.ge [sflag:s19], $0x1  }
0xa6: {  	[sflag:s19] =	ssyncset.done $0x0  }
0xa7: {  	s21 =	simm.s32 $0x1B8E;
	s20 =	sld [smem:$0x3FFE];
	[sflag:s19] =	ssyncadd.s32 $0xFFFFFFFF  }
0xa8: {  	s22 =	simm.s32 $execute0_lowered;
	[smem:$0x3FD2] =	sst s21  }
0xa9: {  	s5 =	sshll.u32 s22, $0x1;
	_ =	strace $0x80000046;
	[dreg:$0x1] =	wrdreg $0xFFFFFFFF  }
0xaa: {  	s23 =	simm.s32 $_size_execute0_lowered;
	s5 =	sadd.s32 s3, s5;
	[dreg:$0x0] =	wrdreg $0x0  }
0xab: {  	s6 =	sshll.u32 s23, $0x1;
	[dreg:$0x2] =	wrdreg s5  }
0xac: {  	[dreg:$0x3] =	wrdreg s6  }
0xad: {  	[dreg:$0x4] =	wrdreg $0xC0  }
0xae: {  	s24 =	simm.s32 $execute1_lowered;
	_ =	task [dreg:s18], $0x5FFFF  }
0xaf: {  	s5 =	sshll.u32 s24, $0x1;
	[dreg:$0x1] =	wrdreg $0xFFFFFFFF  }
0xb0: {  	s3 =	sadd.s32 s3, s5;
	[dreg:$0x0] =	wrdreg $0x60  }
0xb1: {  	[dreg:$0x2] =	wrdreg s3  }
0xb2: {  	[dreg:$0x3] =	wrdreg s20  }
0xb3: {  	[dreg:$0x4] =	wrdreg $0xB  }
0xb4: {  	_ =	task.clear_ibuf [dreg:s18], $0x5FFFF;
	_ =	strace $0x90000046  }
0xb5: {  	s25 =	simm.s32 $0xB;
	_ =	strace $0x80000048  }
0xb6: {  	_ =	swait.ge [sflag:s25], $0x1  }
0xb7: {  	[sflag:s25] =	ssyncadd.s32 $0xFFFFFFFF  }
0xb8: {  	_ =	strace $0x90000048  }
0xb9: {  	_ =	strace $0x80000049;
	[dreg:$0x1] =	wrdreg $0xFFFFFFFF  }
0xba: {  	[dreg:$0x0] =	wrdreg $0x2030  }
0xbb: {  	[dreg:$0x2] =	wrdreg s20  }
0xbc: {  	[dreg:$0x3] =	wrdreg s13  }
0xbd: {  	[dreg:$0x4] =	wrdreg s14  }
0xbe: {  	[dreg:$0x5] =	wrdreg $0xC  }
0xbf: {  	_ =	task.clear_ibuf [dreg:s18], $0x6FFFF;
	_ =	strace $0x90000049  }
0xc0: {  	s26 =	simm.s32 $0xC;
	_ =	strace $0x8000004B  }
0xc1: {  	_ =	swait.ge [sflag:s26], $0x1  }
0xc2: {  	[sflag:s26] =	ssyncadd.s32 $0xFFFFFFFF  }
0xc3: {  	_ =	strace $0x9000004B  }
0xc4: {  	_ =	sfence  }
0xc5: {  	s28 =	sld [smem:$0x0];
	_ =	sdelay $0x1  }
0xc6: {  	s29 =	srdreg.scid  }
0xc7: {  	s30 =	sshll.u32 s29, $0xD;
	s31 =	sshrl.u32 s29, $0x2  }
0xc8: {  	s2 =	sand.u32 $0x1, s29;
	s3 =	sand.u32 $0x4000, s30;
	s1 =	sadd.s32 s31, s28  }
0xc9: {  	s2 =	sor.u32 s3, s2;
	s1 =	sshll.u32 s1, $0x11  }
0xca: {  	s1 =	sor.u32 s1, s2  }
0xcb: {  	s1 =	sadd.s32 $0x8F2B, s1  }
0xcc: {  	[sflag:s1] =	ssyncadd.remote.s32 $0x1  }
0xcd: {  	_ =	sfence.sel $0xFFFF  }
0xce: {  	[dreg:$0x0] =	wrdreg $0xFFFFFFFF;
	(pc) =	sbr.abs _section_cstart, $3  }
0xcf: {  	[dreg:$0x1] =	wrdreg $0xFFFFFFFF  }
0xd0: {  	_ =	task.clear_ibuf [dreg:s18], $0x2FFFF;
	_ =	strace $0x9FFFFFFF  }
0xd1: {  	(tm) =	ssettm $0x7FFFFFFF  }
tec
execute0_lowered:
.L_overlay_start_1:
0x0: {  	(tag) =	ssettag $0x1  }
0x1: {  	s2 =	rddreg [dreg:$0x0]  }
0x2: {  	s4 =	rddreg [dreg:$0x1]  }
0x3: {  	s0 =	rddreg [dreg:$0x2];
	s5 =	stileid.u32;
	[bflag:$0x3] =	sbarrier.arrive $0xFFFF  }
0x4: {  	s1 =	simm.s32 $_size_execute1_lowered;
	s9 =	simm.s32 $0x1;
	s31 =	simm.s32 $0x2  }
0x5: {  	s10 =	simm.s32 $0x0;
	p0 =	sne.s32 s5, $0x0;
	s1 =	sshll.u32 s1, $0x1  }
0x6: {  	p1 =	seq.s32 s5, $0x0;
	s3 =	simm.s32 @!p0 $0x1C3F;
	s6 =	simm.s32 @!p0 $0x4060  }
0x7: {  	[timem:s6], [sflag:s3] =	dma.local @!p0 [hbm:s2], s1  }
0x8: {  	s9 =	simm.s32 @!p1 $0x0;
	s2 =	smul.u32 $0x280, s5;
	s6 =	simm.s32 @!p0 $0x2800  }
0x9: {  	s3 =	simm.s32 $0x0;
	s5 =	simm.s32 $0x1;
	s6 =	simm.s32 @p0 $0x0  }
.Ltmp0:
0xa: {  	_ =	strace $0x80000047;
	s8 =	ssub.s32 $0x2800, s2;
	(pc) =	sbr.rel .LBB2_1-.Ltmp0, $4  }
0xb: {  	s30 =	sshrl.u32 s2, $0x3;
	p1 =	sne.s32 s8, s6;
	s6 =	simm.s32 $0x1  }
0xc: {  	[sflag:s5] =	ssyncpa.u1 $0x0;
	s7 =	sadd.s32 s30, s4;
	s6 =	simm.s32 @!p1 $0x0  }
0xd: {  	s4 =	sadd.s32 $0xB3200, s4;
	[sflag:s31] =	ssyncpa.u1 $0x0;
	s6 =	sadd.s32 s9, s6  }
0xe: {  	s7 =	sadd.s32 $0xB2C00, s7;
	s9 =	simm.s32 $0x0;
	s8 =	sadd.s32 $0x1, s6  }
.LBB2_7:
0xf: {  	p2 =	sne.s32 s9, s8  }
.Ltmp1:
0x10: {  	p1 =	slt.u32 s9, $0x2;
	(pc) =	sbr.rel @!p2 .LBB2_8-.Ltmp1, $4  }
0x11: {  	s10 =	simm.s32 @!p1 $0x2  }
0x12: {  	_ =	swait.ge @!p1 [sflag:s10], $0x280  }
0x13: {  	s11 =	sadd.s32 $0x1, s9;
	[sflag:s10] =	ssyncset.done @!p1 $0x0  }
0x14: {  	s9 =	smov.u32 s11;
	[sflag:s10] =	ssyncadd.s32 @!p1 $0xFFFFFD80;
	s10 =	smov.u32 s2  }
.LBB2_1:
0x15: {  	p1 =	sge.u32 s9, s6  }
0x16: {  	s11 =	sxor.u32 @!p1 $0x1, s9  }
0x17: {  	s11 =	smul.u32 @!p1 $0xA00, s11;
	_ =	sdelay $0x1  }
0x18: {  	s31 =	sadd.s32 $0xFFFFFFFF, s9;
	s12 =	simm.s32 @!p1 $0x0;
	s11 =	sshra.s32 @!p1 s11, $0x2  }
0x19: {  	[tilespmem:s11], [sflag:$0x1] =	stream.linear.gather @!p1 [hbm4b:s7+s12], $0x280, $0x38;
	[tilespmem:$0xA00] =	vst v63  }
0x1a: {  	p1 =	sge.u32 s31, s6  }
.Ltmp2:
0x1b: {  	_ = 	snop;
	(pc) =	sbr.rel @p1 .LBB2_7-.Ltmp2, $1  }
0x1c: {  	_ =	sdelay $0x3  }
0x1d: {  	s11 =	sand.u32 $0x1, s9  }
0x1e: {  	s12 =	simm.s32 $0x280;
	p1 =	seq.s32 s11, $0x1  }
0x1f: {  	s12 =	simm.s32 @!p1 $0x0  }
0x20: {  	v0 =	vmov s12  }
0x21: {  	_ =	swait.ge [sflag:s5], $0x280  }
0x22: {  	[sflag:s5] =	ssyncset.done $0x0;
	s11 =	sor.u32 $0x500, s12  }
0x23: {  	s13 =	simm.s32 $0x0;
	[sflag:s5] =	ssyncadd.s32 $0xFFFFFD80;
	p1 =	por $0x1, $0x1;
	v1 =	vmov s11  }
.LBB2_3:
0x24: {  	s14 =	sor.u32 $0x10, s13  }
0x25: {  	v2 =	vld.idx.msk [tilespmem:v0+s14+$0x0 ss:$0x1], $0xffff  }
0x26: {  	s15 =	sor.u32 $0x20, s13;
	v60 =	vld.idx.msk [tilespmem:v0+s13+$0x0 ss:$0x1], $0xffff  }
0x27: {  	s16 =	sor.u32 $0x30, s13;
	v3 =	vld.idx.msk [tilespmem:v0+s15+$0x0 ss:$0x1], $0xffff  }
0x28: {  	s17 =	sor.u32 $0x40, s13;
	v4 =	vld.idx.msk [tilespmem:v0+s16+$0x0 ss:$0x1], $0xffff  }
0x29: {  	s19 =	sor.u32 $0x60, s13;
	v5 =	vld.idx.msk [tilespmem:v0+s17+$0x0 ss:$0x1], $0xffff  }
0x2a: {  	s18 =	sor.u32 $0x50, s13;
	[tilespmem:v1+s14+$0x0 ss:$0x1] =	vst.idx.msk $0xffff, v2;
	v2 =	vld.idx.msk [tilespmem:v0+s19+$0x0 ss:$0x1], $0xffff  }
0x2b: {  	s23 =	sor.u32 $0x80, s13;
	v6 =	vld.idx.msk [tilespmem:v0+s18+$0x0 ss:$0x1], $0xffff;
	[tilespmem:v1+s13+$0x0 ss:$0x1] =	vst.idx.msk $0xffff, v60  }
0x2c: {  	s24 =	sor.u32 $0x90, s13;
	v58 =	vld.idx.msk [tilespmem:v0+s23+$0x0 ss:$0x1], $0xffff;
	[tilespmem:v1+s15+$0x0 ss:$0x1] =	vst.idx.msk $0xffff, v3  }
0x2d: {  	s22 =	sor.u32 $0x70, s13;
	v59 =	vld.idx.msk [tilespmem:v0+s24+$0x0 ss:$0x1], $0xffff;
	[tilespmem:v1+s16+$0x0 ss:$0x1] =	vst.idx.msk $0xffff, v4  }
0x2e: {  	s25 =	sor.u32 $0xA0, s13;
	v3 =	vld.idx.msk [tilespmem:v0+s22+$0x0 ss:$0x1], $0xffff;
	[tilespmem:v1+s17+$0x0 ss:$0x1] =	vst.idx.msk $0xffff, v5  }
0x2f: {  	s28 =	sor.u32 $0xC0, s13;
	[tilespmem:v1+s19+$0x0 ss:$0x1] =	vst.idx.msk $0xffff, v2;
	v2 =	vld.idx.msk [tilespmem:v0+s25+$0x0 ss:$0x1], $0xffff  }
0x30: {  	s29 =	sor.u32 $0xD0, s13;
	v61 =	vld.idx.msk [tilespmem:v0+s28+$0x0 ss:$0x1], $0xffff;
	[tilespmem:v1+s18+$0x0 ss:$0x1] =	vst.idx.msk $0xffff, v6  }
0x31: {  	s30 =	sor.u32 $0xE0, s13;
	v62 =	vld.idx.msk [tilespmem:v0+s29+$0x0 ss:$0x1], $0xffff;
	[tilespmem:v1+s23+$0x0 ss:$0x1] =	vst.idx.msk $0xffff, v58  }
0x32: {  	s26 =	sor.u32 $0xB0, s13;
	v63 =	vld.idx.msk [tilespmem:v0+s30+$0x0 ss:$0x1], $0xffff;
	[tilespmem:v1+s24+$0x0 ss:$0x1] =	vst.idx.msk $0xffff, v59  }
0x33: {  	s31 =	sor.u32 $0xF0, s13;
	[tilespmem:v1+s22+$0x0 ss:$0x1] =	vst.idx.msk $0xffff, v3;
	v3 =	vld.idx.msk [tilespmem:v0+s26+$0x0 ss:$0x1], $0xffff  }
0x34: {  	p2 =	por p1, p1;
	[tilespmem:v1+s25+$0x0 ss:$0x1] =	vst.idx.msk $0xffff, v2;
	v2 =	vld.idx.msk [tilespmem:v0+s31+$0x0 ss:$0x1], $0xffff  }
.Ltmp3:
0x35: {  	[tilespmem:v1+s28+$0x0 ss:$0x1] =	vst.idx.msk $0xffff, v61;
	(pc) =	sbr.rel @p2 .LBB2_3-.Ltmp3, $4  }
0x36: {  	[tilespmem:v1+s29+$0x0 ss:$0x1] =	vst.idx.msk $0xffff, v62  }
0x37: {  	[tilespmem:v1+s30+$0x0 ss:$0x1] =	vst.idx.msk $0xffff, v63  }
0x38: {  	[tilespmem:v1+s26+$0x0 ss:$0x1] =	vst.idx.msk $0xffff, v3  }
0x39: {  	p1 =	por $0x0, $0x0;
	s13 =	simm.s32 $0x100;
	[tilespmem:v1+s31+$0x0 ss:$0x1] =	vst.idx.msk $0xffff, v2  }
0x3a: {  	s13 =	sadd.s32 $0x700, s12;
	s12 =	sadd.s32 $0x200, s12;
	s14 =	simm.s32 $0x1F0  }
.LBB2_5:
0x3b: {  	s14 =	sadd.s32 $0x10, s14  }
0x3c: {  	v0 =	vld [tilespmem:s12+$0x0];
	p1 =	slt.u32 s14, $0x270  }
.Ltmp4:
0x3d: {  	_ = 	snop;
	(pc) =	sbr.rel @p1 .LBB2_5-.Ltmp4, $2  }
0x3e: {  	_ =	sdelay $0x2  }
0x3f: {  	s12 =	sadd.s32 $0x10, s12;
	[tilespmem:s13+$0x0] =	vst v0;
	s13 =	sadd.s32 $0x10, s13  }
.Ltmp5:
0x40: {  	(pc) =	sbr.rel .LBB2_7-.Ltmp5, $4  }
0x41: {  	_ = 	snop  }
0x42: {  	s10 =	sshrl.u32 s10, $0x3  }
0x43: {  	s10 =	sadd.s32 s4, s10  }
0x44: {  	[hbm4b:s10+s3] =	stream.linear.scatter [tilespmem:s11], [sflag:$0x2], $0x280, $0x38;
	[tilespmem:$0xA00] =	vst v63  }
.LBB2_8:
0x45: {  	_ =	sfence.sel $0x180000  }
0x46: {  	s2 =	simm.s32 $0x1;
	[bflag:$0x0] =	sbarrier.arrive $0xFFFF  }
0x47: {  	s31 =	simm.s32 $0x2;
	[sflag:s2] =	ssyncpa.u1 $0x1  }
0x48: {  	[sflag:s31] =	ssyncpa.u1 $0x1  }
0x49: {  	_ =	strace $0x90000047  }
0x4a: {  	s0 =	sadd.s32 @!p0 $0x100000, s0;
	[bflag:$0x2] =	sbarrier.arrive $0xFFFF  }
0x4b: {  	[sflag:s0] =	ssyncadd.tile.s32 @!p0 $0x1;
	s0 =	simm.s32 @!p0 $0x3F  }
0x4c: {  	_ =	swait.ge @!p0 [sflag:s0], s1  }
0x4d: {  	s1 =	ssub.s32 @!p0 $0x0, s1;
	[sflag:s0] =	ssyncset.done @!p0 $0x0  }
0x4e: {  	[sflag:s0] =	ssyncadd.s32 @!p0 s1  }
0x4f: {  	[bflag:$0x3] =	sbarrier.arrive $0xFFFF  }
0x50: {  	_ =	shalt  }
.Lfunc_end2:
execute1_lowered:
.L_overlay_start_2:
0x51: {  	(tag) =	ssettag $0x2  }
0x52: {  	s0 =	rddreg [dreg:$0x0]  }
0x53: {  	s3 =	rddreg [dreg:$0x1];
	_ =	strace $0x8000004A;
	s15 =	stileid.u32  }
0x54: {  	s2 =	simm.s32 $0x1;
	s1 =	smin.u32 s15, $0x8;
	s5 =	sshll.u32 s15, $0x1  }
0x55: {  	[sflag:s2] =	ssyncpa.u1 $0x0;
	s1 =	sadd.s32 s1, s5  }
0x56: {  	v1 =	vimm.s32 $0xFFFFFFFF;
	p0 =	slt.u32 s15, $0x8;
	s6 =	smul.u32 $0x1F40, s1;
	s1 =	simm.s32 $0x5DC0  }
0x57: {  	[tilespmem:$0x10] =	vst v1;
	s1 =	simm.s32 @!p0 $0x3E80  }
0x58: {  	v0 =	vimm.f32 $0.0e+00;
	[tilespmem:$0x20] =	vst v1;
	s1 =	sadd.s32 s1, s6  }
0x59: {  	[tilespmem:$0x30] =	vst v0;
	s7 =	smin.u32 s1, $0x4E200  }
0x5a: {  	s8 =	simm.s32 $0x2;
	[tilespmem:$0x40] =	vst v0;
	s1 =	ssub.s32 s7, s6  }
0x5b: {  	s9 =	simm.s32 $0x8;
	s31 =	simm.s32 $0x9;
	[tilespmem:$0x50] =	vst v0;
	p0 =	sgt.s32 s1, $0x0  }
0x5c: {  	s16 =	simm.s32 $0x0;
	s17 =	simm.s32 $0xF0;
	[tilespmem:$0x60] =	vst v1;
	s1 =	simm.s32 @!p0 $0x0  }
0x5d: {  	s18 =	simm.s32 $0xFFFFFFFF;
	s19 =	simm.s32 $0xFFFFC280;
	[tilespmem:$0x70] =	vst v1;
	s4 =	smulhi.u32 $0x10624DD3, s1  }
0x5e: {  	s20 =	simm.s32 $0xFFFFFFFE;
	s21 =	simm.s32 $0xF;
	s22 =	simm.s32 $0x30;
	[tilespmem:$0x80] =	vst v1  }
0x5f: {  	s25 =	simm.s32 $0x0;
	s24 =	simm.s32 $0x0;
	v1 =	vimm.s32 $0x0;
	[tilespmem:$0xB0] =	vst v0;
	s4 =	sshrl.u32 s4, $0x9  }
0x60: {  	s15 =	sshllo.u32 s15, $0x1;
	s13 =	sor.u32 $0x80, s5;
	[tilespmem:$0x90] =	vst v1;
	s10 =	smul.u32 $0x1F40, s4  }
.Ltmp6:
0x61: {  	[tilespmem:$0xA0] =	vst v1;
	[sflag:s8] =	ssyncpa.u1 $0x0;
	s8 =	simm.s32 $0x7;
	(pc) =	sbr.rel .LBB3_1-.Ltmp6, $4  }
0x62: {  	s14 =	sor.u32 $0x81, s5;
	[sflag:s8] =	ssyncpa.u1 $0x0;
	p0 =	sne.s32 s1, s10  }
0x63: {  	[sflag:s9] =	ssyncpa.u1 $0x0;
	s23 =	smov.u32 s6;
	s2 =	simm.s32 @!p0 $0x0  }
0x64: {  	vm0 =	vmmov $0xffff;
	v2 =	vlaneseq.u32;
	[sflag:s31] =	ssyncpa.u1 $0x0;
	s1 =	sadd.s32 $0xB3200, s0;
	s10 =	sadd.s32 s2, s4  }
0x65: {  	vm1 =	vmxor vm1, vm1;
	vm2 =	vmmov $0x1;
	vm3 =	vcmask $0x3F3C;
	p0 =	por $0x0, $0x0;
	s11 =	sadd.s32 $0x1, s10;
	s12 =	sadd.s32 $0x2, s10  }
.LBB3_9:
0x66: {  	p1 =	slt.u32 s24, $0x3  }
0x67: {  	s0 =	simm.s32 @!p1 $0x2  }
0x68: {  	_ =	swait.ge @!p1 [sflag:s0], $0x1F40  }
0x69: {  	[sflag:s0] =	ssyncset.done @!p1 $0x0  }
0x6a: {  	[sflag:s0] =	ssyncadd.s32 @!p1 $0xFFFFE0C0;
	s0 =	simm.s32 @!p1 $0x9  }
0x6b: {  	_ =	swait.ge @!p1 [sflag:s0], $0x10  }
0x6c: {  	[sflag:s0] =	ssyncset.done @!p1 $0x0  }
0x6d: {  	[sflag:s0] =	ssyncadd.s32 @!p1 $0xFFFFFFF0;
	p1 =	sne.s32 s24, s12  }
.Ltmp7:
0x6e: {  	s2 =	sadd.s32 $0x1F40, s23;
	(pc) =	sbr.rel @!p1 .LBB3_10-.Ltmp7, $4  }
0x6f: {  	s4 =	smov.u32 s6;
	s31 =	sadd.s32 $0x1, s24;
	s17 =	sadd.s32 $0x1F40, s17  }
0x70: {  	s18 =	sadd.s32 $0x1, s18;
	s25 =	smov.u32 s23;
	p2 =	slt.s32 s2, s7  }
0x71: {  	p0 =	por !p0, !p0;
	s19 =	sadd.s32 $0x1F40, s19;
	s4 =	smov.u32 @p2 s2  }
0x72: {  	s20 =	sadd.s32 $0x1, s20;
	s23 =	smov.u32 s4;
	s24 =	smov.u32 s31  }
.LBB3_1:
0x73: {  	p1 =	sge.u32 s24, s10  }
0x74: {  	s0 =	smulhi.u32 @!p1 $0xAAAAAAAB, s24;
	_ =	sdelay $0x1  }
0x75: {  	s0 =	sshrl.u32 @!p1 s0, $0x1  }
0x76: {  	s0 =	smul.u32 @!p1 $0x3, s0;
	_ =	sdelay $0x1  }
0x77: {  	s0 =	ssub.s32 @!p1 s24, s0  }
0x78: {  	s0 =	smul.u32 @!p1 $0x7D00, s0;
	_ =	sdelay $0x1  }
0x79: {  	s2 =	sshrl.u32 @!p1 s23, $0x3;
	s0 =	sshrl.u32 @!p1 s0, $0x2  }
0x7a: {  	s4 =	sand.u32 @!p1 $0x7, s23;
	s2 =	sadd.s32 @!p1 s3, s2;
	s0 =	sadd.s32 @!p1 $0x100, s0  }
0x7b: {  	[tilespmem:s0], [sflag:$0x7] =	stream.linear.gather @!p1 [hbm4b:s2+s4], $0x1F40, $0x38;
	[tilespmem:$0x11A60] =	vst v63  }
0x7c: {  	s0 =	sadd.s32 $0xFFFFFFFF, s24  }
0x7d: {  	p1 =	sge.u32 s0, s10  }
.Ltmp8:
0x7e: {  	_ = 	snop;
	(pc) =	sbr.rel @p1 .LBB3_5-.Ltmp8, $1  }
0x7f: {  	_ =	sdelay $0x3  }
0x80: {  	s2 =	smulhi.u32 $0xAAAAAAAB, s0;
	_ =	sdelay $0x1  }
0x81: {  	s2 =	sshrl.u32 s2, $0x1  }
0x82: {  	s2 =	smul.u32 $0x3, s2;
	_ =	sdelay $0x1  }
0x83: {  	s2 =	ssub.s32 s0, s2  }
0x84: {  	s2 =	smul.u32 $0x7D00, s2  }
0x85: {  	_ =	swait.ge [sflag:s8], $0x1F40  }
0x86: {  	[sflag:s8] =	ssyncset.done $0x0;
	s2 =	sshrl.u32 s2, $0x2  }
0x87: {  	[sflag:s8] =	ssyncadd.s32 $0xFFFFE0C0;
	(ifvalue) =	ssetifvalue $0xFFFFFFFF;
	v3 =	vld.msk [tilespmem:s2+$0x100 ss:$0x1], $0xffff;
	_ =	sdelay $0x2  }
0x88: {  	s30 =	smulhi.u32 $0xAAAAAAAB, s18;
	p1 =	sne.s32 s24, $0x1  }
0x89: {  	v4 =	vimm.s32 @!p1 $0x0  }
0x8a: {  	s2 =	sshrl.u32 s30, $0x1;
	v4 =	vperm.xlane @!p1 v3, v4  }
0x8b: {  	s4 =	sshll.u32 s24, $0x4;
	s2 =	smul.u32 $0xFFFE8900, s2;
	vm4 =	vlt.u32 v3, $0x2800  }
0x8c: {  	s4 =	sand.u32 $0x10, s4;
	v3 =	vnsel vm4, $0xFFFFFFFE, v3;
	vm4 =	vlt.u32 @!p1 v4, $0x2800  }
0x8d: {  	s2 =	sshra.s32 s2, $0x2;
	[tilespmem:s4+$0x60] =	vst v3;
	v3 =	vnsel @!p1 vm4, $0xFFFFFFFE, v4  }
0x8e: {  	s28 =	sadd.s32 s2, s17;
	[tilespmem:$0x80] =	vst @!p1 v3  }
0x8f: {  	v3 =	vld.msk [tilespmem:s28+$0x0 ss:$0x1], $0xffff;
	_ =	sdelay $0x4  }
0x90: {  	(xrf1) =	vunique.msk.u32 $0xffff, v3;
	_ =	sdelay $0xd  }
0x91: {  	v4 =	vimm.s32 $0xFFFFFFFF;
	v5, _, _ =	vpop (xrf1)  }
0x92: {  	vm5 =	vne.s32 v3, v4;
	vm4 =	veq.s32 v5, v2  }
0x93: {  	vm6 =	vlt.u32 v3, $0x2800;
	vm4 =	vmand vm5, vm4  }
0x94: {  	vm4 =	vmand vm6, vm4  }
0x95: {  	v4 =	vnsel vm4, $0xFFFFFFFF, v3  }
0x96: {  	s31 =	sand.u32 $0x1, s0  }
0x97: {  	s0 =	simm.s32 $0x1F40;
	p1 =	seq.s32 s31, $0x1  }
0x98: {  	s0 =	simm.s32 @!p1 $0x0  }
0x99: {  	s26 =	sadd.s32 $0x7DF0, s0;
	(ifvalue) =	ssetifvalue $0xFFFFFFFF  }
0x9a: {  	v3 =	vperm.xlane v3, v1;
	[tilespmem:s26], [sflag:$0x8] =	stream.indirect_vreg.gather [hbm4b:s1+s16], $0x1, v4, vm0, $0x4038;
	v4 =	vnsel vm6, $0xFFFFFFFE, v4;
	[tilespmem:$0x11A60] =	vst v63  }
0x9b: {  	s2 =	simm.s32 $0x0;
	s4 =	sadd.s32 $0xFFFFFFF0, s28;
	[tilespmem:s28+$0x0] =	vst v4  }
.LBB3_3:
0x9c: {  	v4 =	vld.msk [tilespmem:s4+$0x0 ss:$0x1], $0xffff;
	s2 =	sadd.s32 $0x10, s2;
	v5 =	vmov v3;
	s28 =	smov.u32 s4  }
0x9d: {  	p1 =	slt.u32 s2, $0x1F30;
	_ =	sdelay $0x4  }
0x9e: {  	v3 =	vperm.xlane v4, v1;
	(xrf1) =	vunique.msk.u32 $0xffff, v4;
	_ =	sdelay $0xd  }
0x9f: {  	v6, _, _ =	vpop (xrf1)  }
0xa0: {  	vm5 =	vne.s32 v4, v5;
	vm4 =	veq.s32 v6, v2  }
0xa1: {  	vm6 =	vlt.u32 v4, $0x2800;
	vm4 =	vmand vm5, vm4  }
0xa2: {  	vm4 =	vmand vm6, vm4  }
0xa3: {  	v4 =	vnsel vm4, $0xFFFFFFFF, v4  }
.Ltmp9:
0xa4: {  	v5 =	vnsel vm6, $0xFFFFFFFE, v4;
	(pc) =	sbr.rel @p1 .LBB3_3-.Ltmp9, $3  }
0xa5: {  	_ =	sdelay $0x1  }
0xa6: {  	s4 =	sadd.s32 $0xFFFFFFF0, s4;
	s26 =	sadd.s32 $0xFFFFFFF0, s26;
	(ifvalue) =	ssetifvalue $0xFFFFFFFF  }
0xa7: {  	[tilespmem:s26], [sflag:$0x8] =	stream.indirect_vreg.gather [hbm4b:s1+s16], $0x1, v4, vm0, $0x4038;
	[tilespmem:s28+$0x0] =	vst v5  }
0xa8: {  	s2 =	sshrl.u32 s25, $0x3;
	s4 =	rddreg [dreg:$0x2]  }
0xa9: {  	s0 =	sadd.s32 $0x9D40, s0;
	s2 =	sadd.s32 s4, s2  }
0xaa: {  	[tilespmem:s0], [sflag:$0x8] =	stream.linear.gather [hbm:s2], $0x1F40, $0x38;
	[tilespmem:$0x11A60] =	vst v63  }
.LBB3_5:
0xab: {  	p1 =	slt.u32 s24, $0x2  }
0xac: {  	p2 =	sge.u32 @!p1 s24, s12  }
0xad: {  	p1 =	por p1, p2  }
.Ltmp10:
0xae: {  	_ = 	snop;
	(pc) =	sbr.rel @p1 .LBB3_9-.Ltmp10, $1  }
0xaf: {  	_ =	sdelay $0x3  }
0xb0: {  	s0 =	sadd.s32 $0xFFFFFFFE, s24  }
0xb1: {  	s2 =	smulhi.u32 $0xAAAAAAAB, s0;
	_ =	sdelay $0x1  }
0xb2: {  	s2 =	sshrl.u32 s2, $0x1  }
0xb3: {  	s2 =	smul.u32 $0x3, s2;
	_ =	sdelay $0x1  }
0xb4: {  	s0 =	ssub.s32 s0, s2  }
0xb5: {  	_ =	swait.ge [sflag:s9], $0x3E80;
	s0 =	smul.u32 $0x1F40, s0  }
0xb6: {  	p1 =	sne.s32 s24, s11;
	[sflag:s9] =	ssyncset.done $0x0  }
0xb7: {  	[sflag:s9] =	ssyncadd.s32 $0xFFFFC180;
	s2 =	sadd.s32 @!p1 $0x203F, s0  }
0xb8: {  	[spmem:s14] =	stream.linear.scatter @!p1 [tilespmem:s2], [sflag:$0x1], $0x1, $0x38;
	[tilespmem:$0x11A60] =	vst v63  }
0xb9: {  	s2 =	simm.s32 @!p1 $0x1  }
0xba: {  	_ =	swait.ge @!p1 [sflag:s2], $0x1  }
0xbb: {  	s4 =	sshll.u32 s24, $0x4;
	[sflag:s2] =	ssyncset.done @!p1 $0x0  }
0xbc: {  	s25 =	sand.u32 $0x10, s4;
	[sflag:s2] =	ssyncadd.s32 @!p1 $0xFFFFFFFF  }
0xbd: {  	s2 =	sxor.u32 $0x10, s25;
	v4 =	vld [tilespmem:s25+$0x10]  }
0xbe: {  	v5 =	vld [tilespmem:s2+$0x60]  }
0xbf: {  	v3 =	vld [tilespmem:$0x80];
	_ =	sdelay $0x2  }
0xc0: {  	(v2sf) =	vpush v4, $0x0  }
0xc1: {  	(v2sf) =	vpush v5, $0x0  }
0xc2: {  	(v2sf) =	vpush v3, $0x0;
	_ =	sdelay $0xc  }
0xc3: {  	s4 =	spop (v2sf)  }
0xc4: {  	s26 =	spop (v2sf)  }
0xc5: {  	s28 =	spop (v2sf)  }
0xc6: {  	p2 =	seq.s32 s4, s26;
	p3 =	seq.s32 s28, s4  }
0xc7: {  	p3 =	por p2, p3  }
0xc8: {  	s26 =	sand.u32 $0x1, s24;
	v4 =	vpsel p3, $0xFFFFFFFF, v4  }
0xc9: {  	s29 =	smul.u32 $0x1F40, s26;
	[tilespmem:s25+$0x10] =	vst.msk $0x1, v4  }
0xca: {  	v4 =	vld [tilespmem:$0x30]  }
0xcb: {  	v5 =	vld [tilespmem:s29+$0x9D40]  }
0xcc: {  	v6 =	vld [tilespmem:s25+$0x40];
	_ =	sdelay $0x3  }
0xcd: {  	vm4 =	vmmov vm1;
	v5 =	vadd.f32 v5, v4  }
0xce: {  	vm5 =	vmmov vm2;
	vm4 =	vmmov @p2 vm2;
	s4 =	sshll.u32 s26, $0x4;
	v4 =	vadd.f32 v6, v4  }
0xcf: {  	s26 =	sor.u32 $0x11A40, s4;
	vm5 =	vmmov @p3 vm1;
	[tilespmem:s29+$0x9D40] =	vst.msk vm4, v5  }
0xd0: {  	[tilespmem:s26+$0x0] =	vst.msk vm5, v4  }
0xd1: {  	v4 =	vld [tilespmem:s29+$0x7DF0];
	_ =	sdelay $0x3  }
0xd2: {  	v5 =	vimm.f32 $0.0e+00  }
0xd3: {  	v4 =	vshift.insert v4, v5, s21  }
0xd4: {  	s4 =	sor.u32 $0x40, s2  }
0xd5: {  	[tilespmem:s4+$0x0] =	vst.msk $0x1, v4  }
0xd6: {  	[tilespmem:s29+$0x7DFF] =	vst.msk $0x1, v5  }
0xd7: {  	v4 =	vld [tilespmem:s0+$0x2030];
	_ =	sdelay $0x1  }
0xd8: {  	s4 =	smulhi.u32 $0xAAAAAAAB, s20;
	s0 =	simm.s32 $0x1  }
0xd9: {  	s0 =	simm.s32 @!p0 $0x0  }
0xda: {  	s4 =	sshrl.u32 s4, $0x1;
	s0 =	smul.u32 $0x7D00, s0  }
0xdb: {  	s4 =	smul.u32 $0xFFFE8900, s4;
	v4 =	vshift.insert v4, v1, s21  }
0xdc: {  	s0 =	sshrl.u32 s0, $0x2  }
0xdd: {  	s4 =	sshra.s32 s4, $0x2;
	s30 =	sadd.s32 $0x9D40, s0;
	[tilespmem:s2+$0x10] =	vst.msk $0x1, v4  }
0xde: {  	s4 =	sadd.s32 s4, s19;
	v6 =	vld [tilespmem:s30+$0x0]  }
0xdf: {  	v7 =	vld [tilespmem:s4+$0x0];
	_ =	sdelay $0x3  }
0xe0: {  	v5 =	vadd.f32 v6, v5  }
0xe1: {  	vm4 =	vne.s32 v7, $0xFFFFFFFF  }
0xe2: {  	(xrf2) =	vadd.seg.scan.f32 vm4, v5;
	_ =	sdelay $0x3  }
0xe3: {  	s31 =	sadd.s32 $0x5EC0, s0;
	v5 =	vperm.xlane v4, v1  }
0xe4: {  	v6 =	vld [tilespmem:s31+$0x0]  }
0xe5: {  	vm5 =	veq.s32 v7, v3;
	vm6 =	veq.s32 v7, v5  }
0xe6: {  	vm7 =	vgt.u32 v7, $0xFFFFFFFD;
	vm6 =	vmor vm6, vm5  }
0xe7: {  	vm6 =	vmor vm6, vm7  }
0xe8: {  	v9 =	vld [tilespmem:$0xA0];
	v7 =	vsel vm6, $0xFFFFFFFF, v7  }
0xe9: {  	v10 =	vld [tilespmem:$0x90];
	v6 =	vsel vm5, $0x0, v6;
	v8, _, _ =	vpop (xrf2)  }
0xea: {  	v6 =	vadd.f32 v8, v6  }
0xeb: {  	s0 =	sadd.s32 $0xDBC0, s0  }
0xec: {  	vm4 =	vmand vm4, vm3;
	[tilespmem:s0+$0x0] =	vst v6;
	(ifvalue) =	ssetifvalue $0xFFFFFFFF  }
0xed: {  	vm6 =	veq.s32 v9, $0x1;
	[hbm4b:s1+s16] =	stream.indirect_vreg.scatter [tilespmem:s0], [sflag:$0x2], $0x1, v7, vm0, $0x4038;
	v7 =	vsel vm4, $0x0, v8;
	[tilespmem:$0x11A60] =	vst v63  }
0xee: {  	s2 =	simm.s32 $0x0;
	s4 =	sadd.s32 $0x10, s4;
	vm4 =	vmor vm6, vm5;
	v6 =	vsel vm5, v8, v10;
	v7 =	vshift.insert v7, v0, s21  }
.LBB3_7:
0xef: {  	v8 =	vld [tilespmem:s4+$0x0];
	s30 =	sadd.s32 $0x10, s30  }
0xf0: {  	s31 =	sadd.s32 $0x10, s31;
	v9 =	vld [tilespmem:s30+$0x0]  }
0xf1: {  	s2 =	sadd.s32 $0x10, s2;
	v10 =	vld [tilespmem:s31+$0x0]  }
0xf2: {  	p2 =	slt.u32 s2, $0x1F30;
	_ =	sdelay $0x2  }
0xf3: {  	v7 =	vadd.f32 v9, v7  }
0xf4: {  	vm5 =	vne.s32 v8, $0xFFFFFFFF  }
0xf5: {  	vm6 =	vmand vm5, vm3;
	(xrf2) =	vadd.seg.scan.f32 vm5, v7;
	_ =	sdelay $0x5  }
0xf6: {  	vm7 =	veq.s32 v8, v5;
	vm5 =	veq.s32 v8, v3  }
0xf7: {  	vm8 =	vgt.u32 v8, $0xFFFFFFFD;
	vm4 =	vmor vm4, vm5;
	vm7 =	vmor vm7, vm5  }
0xf8: {  	vm7 =	vmor vm7, vm8  }
0xf9: {  	v8 =	vsel vm7, $0xFFFFFFFF, v8  }
.Ltmp11:
0xfa: {  	v7 =	vsel vm5, $0x0, v10;
	v9, _, _ =	vpop (xrf2);
	(pc) =	sbr.rel @p2 .LBB3_7-.Ltmp11, $4  }
0xfb: {  	v6 =	vsel vm5, v9, v6;
	v10 =	vadd.f32 v9, v7;
	v7 =	vsel vm6, $0x0, v9  }
0xfc: {  	s0 =	sadd.s32 $0x10, s0;
	v7 =	vshift.insert v7, v0, s21  }
0xfd: {  	s4 =	sadd.s32 $0x10, s4;
	[tilespmem:s0+$0x0] =	vst v10;
	(ifvalue) =	ssetifvalue $0xFFFFFFFF  }
0xfe: {  	[hbm4b:s1+s16] =	stream.indirect_vreg.scatter [tilespmem:s0], [sflag:$0x2], $0x1, v8, vm0, $0x4038;
	[tilespmem:$0x11A60] =	vst v63  }
0xff: {  	v3 =	vld [tilespmem:s29+$0xFAF0];
	_ =	sdelay $0x4  }
0x100: {  	v3 =	vshift.insert v3, v0, s21;
	_ =	sdelay $0x1  }
0x101: {  	[tilespmem:s22+$0x0] =	vst.msk $0x1, v3  }
0x102: {  	v3 =	vsel vm4, $0x1, v1;
	[tilespmem:$0x90] =	vst v6  }
0x103: {  	s0 =	sadd.s32 @!p1 $0xFAFF, s29;
	[tilespmem:$0xA0] =	vst v3  }
0x104: {  	[spmem:s15] =	stream.linear.scatter @!p1 [tilespmem:s0], [sflag:$0x1], $0x1, $0x38;
	[tilespmem:$0x11A60] =	vst v63  }
0x105: {  	s0 =	simm.s32 @!p1 $0x1  }
0x106: {  	v3 =	vmctz.xlane @!p1 vm4;
	_ =	swait.ge @!p1 [sflag:s0], $0x1  }
0x107: {  	(v2sf) =	vpush @!p1 v4, $0x0  }
0x108: {  	(v2sf) =	vpush @!p1 v3, $0x0;
	_ =	sdelay $0xd  }
0x109: {  	s2 =	spop @!p1 (v2sf)  }
0x10a: {  	s4 =	spop @!p1 (v2sf)  }
0x10b: {  	p2 =	sne.s32 @!p1 s28, s2;
	p3 =	slt.s32 @!p1 s4, $0xF  }
0x10c: {  	[sflag:s0] =	ssyncset.done @!p1 $0x0;
	p2 =	por p2, p1;
	p3 =	por !p3, p1  }
0x10d: {  	[sflag:s0] =	ssyncadd.s32 @!p1 $0xFFFFFFFF;
	v3 =	vimm.s32 @!p2 $0xFFFFFFFF;
	s4 =	simm.s32 @p3 $0xF  }
0x10e: {  	[tilespmem:$0x80] =	vst @!p2 v3;
	s2 =	sadd.s32 @!p1 $0x90, s4  }
0x10f: {  	[spmem:s5] =	stream.linear.scatter @!p1 [tilespmem:s2], [sflag:$0x1], $0x1, $0x38;
	[tilespmem:$0x11A60] =	vst v63  }
0x110: {  	_ =	swait.ge @!p1 [sflag:s0], $0x1  }
0x111: {  	[sflag:s0] =	ssyncset.done @!p1 $0x0  }
0x112: {  	s2 =	simm.s32 @!p1 $0x80;
	[sflag:s0] =	ssyncadd.s32 @!p1 $0xFFFFFFFF  }
0x113: {  	[spmem:s13] =	stream.linear.scatter @!p1 [tilespmem:s2], [sflag:$0x1], $0x1, $0x38;
	[tilespmem:$0x11A60] =	vst v63  }
0x114: {  	_ =	swait.ge @!p1 [sflag:s0], $0x1  }
0x115: {  	[sflag:s0] =	ssyncset.done @!p1 $0x0  }
0x116: {  	[sflag:s0] =	ssyncadd.s32 @!p1 $0xFFFFFFFF;
	(ifvalue) =	ssetifvalue $0xFFFFFFFF;
	v3 =	vld [tilespmem:s25+$0x10];
	_ =	sdelay $0x3  }
.Ltmp12:
0x117: {  	_ = 	snop;
	(pc) =	sbr.rel .LBB3_9-.Ltmp12, $3  }
0x118: {  	_ =	sdelay $0x1  }
0x119: {  	(ifvalue) =	ssetifvalue $0xFFFFFFFF  }
0x11a: {  	[hbm4b:s1+s16] =	stream.indirect_vreg.scatter [tilespmem:s26], [sflag:$0x9], $0x1, v3, vm0, $0x4038;
	[tilespmem:$0x11A60] =	vst v63  }
.LBB3_10:
0x11b: {  	_ =	sfence.sel $0x180000  }
0x11c: {  	s0 =	simm.s32 $0x7;
	[bflag:$0x0] =	sbarrier.arrive $0xFFFF  }
0x11d: {  	s26 =	simm.s32 $0x8;
	[sflag:s0] =	ssyncpa.u1 $0x1  }
0x11e: {  	s28 =	simm.s32 $0x9;
	[sflag:s26] =	ssyncpa.u1 $0x1  }
0x11f: {  	[sflag:s28] =	ssyncpa.u1 $0x1  }
0x120: {  	_ =	sfence.stream.spmem  }
0x121: {  	s29 =	simm.s32 $0x3;
	[bflag:$0x0] =	sbarrier.arrive $0xFFFF  }
0x122: {  	s30 =	simm.s32 $0x4;
	[sflag:s29] =	ssyncpa.u1 $0x1  }
0x123: {  	s31 =	simm.s32 $0x3C;
	s2 =	stileid.u32;
	[sflag:s30] =	ssyncpa.u1 $0x1  }
0x124: {  	p0 =	sne.s32 s2, $0x0;
	[sflag:s31] =	ssyncpa.u1 $0x1  }
0x125: {  	s0 =	simm.s32 @p0 $0x1;
	_ =	sfence @p0  }
0x126: {  	[sflag:s0] =	ssyncpa.u1 @p0 $0x1;
	s0 =	simm.s32 @p0 $0x2  }
0x127: {  	[sflag:s0] =	ssyncpa.u1 @p0 $0x1  }
0x128: {  	_ =	strace @p0 $0x9000004A  }
0x129: {  	[bflag:$0x2] =	sbarrier.arrive @p0 $0xFFFF  }
0x12a: {  	_ =	shalt @p0  }
.LBB3_11:
0x12b: {  	_ =	sfence.stream.spmem;
	s0 =	simm.s32 $0x5  }
0x12c: {  	s2 =	simm.s32 $0x80;
	s3 =	simm.s32 $0xC0;
	[sflag:s0] =	ssyncpa.u1 $0x0  }
0x12d: {  	[tilespmem:s3], [sflag:$0x5] =	stream.linear.gather [spmem:s2], $0x20, $0x38;
	[tilespmem:$0x11A60] =	vst v63  }
0x12e: {  	s2 =	simm.s32 $0x0;
	s3 =	simm.s32 $0xE0  }
0x12f: {  	[tilespmem:s3], [sflag:$0x5] =	stream.linear.gather [spmem:s2], $0x20, $0x38;
	[tilespmem:$0x11A60] =	vst v63  }
.Ltmp13:
0x130: {  	_ = 	snop;
	(pc) =	sbr.rel .LBB3_12-.Ltmp13, $4  }
0x131: {  	_ =	swait.ge [sflag:s0], $0x40  }
0x132: {  	[sflag:s0] =	ssyncset.done $0x0  }
0x133: {  	s31 =	simm.s32 $0x6;
	[sflag:s0] =	ssyncadd.s32 $0xFFFFFFC0  }
0x134: {  	s4 =	simm.s32 $0x0;
	[sflag:s31] =	ssyncpa.u1 $0x0  }
.LBB3_17:
0x135: {  	p0 =	sgt.u32 s5, $0x27FF  }
0x136: {  	s0 =	sshrl.u32 @!p0 s5, $0x3  }
0x137: {  	s5 =	sand.u32 @!p0 $0x7, s5;
	s6 =	simm.s32 @!p0 $0xB0;
	s0 =	sadd.s32 @!p0 s1, s0  }
0x138: {  	[tilespmem:s6], [sflag:$0x6] =	stream.linear.gather @!p0 [hbm4b:s0+s5], $0x1, $0x38;
	[tilespmem:$0x11A60] =	vst v63  }
0x139: {  	s0 =	simm.s32 @!p0 $0x6  }
0x13a: {  	_ =	swait.ge @!p0 [sflag:s0], $0x1  }
0x13b: {  	[sflag:s0] =	ssyncset.done @!p0 $0x0  }
0x13c: {  	[sflag:s0] =	ssyncadd.s32 @!p0 $0xFFFFFFFF  }
0x13d: {  	v2 =	vmov @!p0 s4;
	v1 =	vld.msk @!p0 [tilespmem:$0xB0], $0x1;
	_ =	sdelay $0x3  }
0x13e: {  	s0 =	simm.s32 @!p0 $0xE0  }
0x13f: {  	[tilespmem:v2+s0+$0x0], v1 =	vst.idx.ret.add.f32.msk @!p0 $0x1, v1  }
0x140: {  	[tilespmem:s2+$0xC0] =	vst.msk $0x1, v0  }
0x141: {  	v0 =	vld.msk [tilespmem:s4+$0xE0], $0x1;
	_ =	sdelay $0x4  }
0x142: {  	[tilespmem:s2+$0xE0] =	vst.msk $0x1, v0;
	s2 =	sadd.s32 $0x1, s2  }
.LBB3_19:
0x143: {  	s4 =	sadd.s32 $0x1, s4  }
0x144: {  	p0 =	sne.s32 s4, $0x20  }
.Ltmp14:
0x145: {  	_ = 	snop;
	(pc) =	sbr.rel @!p0 .LBB3_20-.Ltmp14, $1  }
0x146: {  	_ =	sdelay $0x3  }
.LBB3_12:
0x147: {  	v0 =	vld.msk [tilespmem:s4+$0xC0], $0x1;
	_ =	sdelay $0x4  }
0x148: {  	(v2sf) =	vpush v0, $0x0;
	_ =	sdelay $0xe  }
0x149: {  	s5 =	spop (v2sf)  }
0x14a: {  	p0 =	seq.s32 s5, $0xFFFFFFFF  }
.Ltmp15:
0x14b: {  	_ = 	snop;
	(pc) =	sbr.rel @p0 .LBB3_19-.Ltmp15, $1  }
0x14c: {  	_ =	sdelay $0x3  }
0x14d: {  	p0 =	slt.s32 s2, $0x1  }
.Ltmp16:
0x14e: {  	_ = 	snop;
	(pc) =	sbr.rel @p0 .LBB3_17-.Ltmp16, $1  }
0x14f: {  	_ =	sdelay $0x3  }
0x150: {  	s0 =	simm.s32 $0xC0;
	p0 =	por $0x0, $0x0  }
0x151: {  	v1 =	vld.msk @!p0 [tilespmem:s0+$0x0], $0x1;
	_ =	sdelay $0x4  }
0x152: {  	(v2sf) =	vpush @!p0 v1, $0x0;
	_ =	sdelay $0xd  }
0x153: {  	p2 =	sne.s32 s2, $0x1  }
.Ltmp17:
0x154: {  	s6 =	spop @!p0 (v2sf);
	(pc) =	sbr.rel @!p2 .LBB3_16-.Ltmp17, $4  }
0x155: {  	p1 =	seq.s32 @!p0 s5, s6  }
0x156: {  	s6 =	simm.s32 $0x0;
	p1 =	por !p1, p0  }
0x157: {  	s8 =	simm.s32 $0xFFFFFFFF;
	s6 =	simm.s32 @p1 $0xFFFFFFFF  }
0x158: {  	s7 =	simm.s32 $0x1;
	s6 =	smov.u32 @p0 s8  }
.LBB3_15:
0x159: {  	s8 =	smov.u32 s6;
	p0 =	sne.s32 s6, $0xFFFFFFFF  }
0x15a: {  	s0 =	sadd.s32 $0x1, s0;
	s6 =	smov.u32 s7;
	s7 =	sadd.s32 $0x1, s7  }
0x15b: {  	p1 =	sne.s32 s2, s7;
	v1 =	vld.msk @!p0 [tilespmem:s0+$0x0], $0x1;
	_ =	sdelay $0x4  }
0x15c: {  	(v2sf) =	vpush @!p0 v1, $0x0;
	_ =	sdelay $0xe  }
.Ltmp18:
0x15d: {  	s9 =	spop @!p0 (v2sf);
	(pc) =	sbr.rel @p1 .LBB3_15-.Ltmp18, $4  }
0x15e: {  	p2 =	seq.s32 @!p0 s5, s9  }
0x15f: {  	p2 =	por !p2, p0  }
0x160: {  	s6 =	simm.s32 @p2 $0xFFFFFFFF  }
0x161: {  	s6 =	smov.u32 @p0 s8  }
.LBB3_16:
0x162: {  	p0 =	sne.s32 s6, $0xFFFFFFFF  }
.Ltmp19:
0x163: {  	_ = 	snop;
	(pc) =	sbr.rel @!p0 .LBB3_17-.Ltmp19, $1  }
0x164: {  	_ =	sdelay $0x3  }
0x165: {  	v0 =	vld.msk [tilespmem:s4+$0xE0], $0x1;
	v1 =	vmov s6  }
.Ltmp20:
0x166: {  	_ = 	snop;
	(pc) =	sbr.rel .LBB3_19-.Ltmp20, $2  }
0x167: {  	_ =	sdelay $0x2  }
0x168: {  	[tilespmem:v1+s3+$0x0], v0 =	vst.idx.ret.add.f32.msk $0x1, v0  }
.LBB3_20:
0x169: {  	p0 =	slt.s32 s2, $0x1  }
.Ltmp21:
0x16a: {  	_ = 	snop;
	(pc) =	sbr.rel @p0 .LBB3_24-.Ltmp21, $3  }
0x16b: {  	_ =	sdelay $0x1  }
0x16c: {  	s0 =	simm.s32 $0x6  }
0x16d: {  	s3 =	simm.s32 $0x0;
	[sflag:s0] =	ssyncpa.u1 $0x1  }
0x16e: {  	s0 =	simm.s32 $0xC0  }
0x16f: {  	v0 =	vld.msk [tilespmem:s0+$0x0], $0x1;
	_ =	sdelay $0x4  }
0x170: {  	(v2sf) =	vpush v0, $0x0;
	_ =	sdelay $0xe  }
0x171: {  	s2 =	sadd.s32 $0xFFFFFFFF, s2;
	s4 =	spop (v2sf)  }
0x172: {  	p1 =	sne.s32 s2, $0x0;
	p0 =	sgt.u32 s4, $0x27FF  }
.Ltmp22:
0x173: {  	s5 =	sshrl.u32 @!p0 s4, $0x3;
	(pc) =	sbr.rel @!p1 .LBB3_23-.Ltmp22, $4  }
0x174: {  	s0 =	simm.s32 $0xE0;
	s4 =	sand.u32 @!p0 $0x7, s4;
	s5 =	sadd.s32 @!p0 s1, s5  }
0x175: {  	[hbm4b:s5+s4] =	stream.linear.scatter @!p0 [tilespmem:s0], [sflag:$0x5], $0x1, $0x38;
	[tilespmem:$0x11A60] =	vst v63  }
0x176: {  	s5 =	simm.s32 $0x0  }
0x177: {  	s4 =	simm.s32 $0xC1;
	s5 =	simm.s32 @!p0 $0x4  }
.LBB3_22:
0x178: {  	v0 =	vld.msk [tilespmem:s4+$0x0], $0x1;
	s2 =	sadd.s32 $0xFFFFFFFF, s2;
	s3 =	sadd.s32 s3, s5  }
0x179: {  	p0 =	sne.s32 s2, $0x0;
	_ =	sdelay $0x3  }
0x17a: {  	(v2sf) =	vpush v0, $0x0;
	_ =	sdelay $0xe  }
.Ltmp23:
0x17b: {  	s6 =	spop (v2sf);
	(pc) =	sbr.rel @p0 .LBB3_22-.Ltmp23, $4  }
0x17c: {  	s5 =	simm.s32 $0x0;
	p1 =	sgt.u32 s6, $0x27FF  }
0x17d: {  	s0 =	sadd.s32 $0x1, s0;
	s5 =	simm.s32 @!p1 $0x4;
	s7 =	sshrl.u32 @!p1 s6, $0x3  }
0x17e: {  	s4 =	sadd.s32 $0x1, s4;
	s6 =	sand.u32 @!p1 $0x7, s6;
	s7 =	sadd.s32 @!p1 s1, s7  }
0x17f: {  	[hbm4b:s7+s6] =	stream.linear.scatter @!p1 [tilespmem:s0], [sflag:$0x5], $0x1, $0x38;
	[tilespmem:$0x11A60] =	vst v63  }
.LBB3_23:
0x180: {  	s0 =	sadd.s32 s3, s5  }
0x181: {  	s3 =	sshrl.u32 s0, $0x2  }
.LBB3_24:
0x182: {  	s0 =	simm.s32 $0x5  }
0x183: {  	_ =	swait.ge [sflag:s0], s3  }
0x184: {  	s1 =	ssub.s32 $0x0, s3;
	[sflag:s0] =	ssyncset.done $0x0  }
0x185: {  	[sflag:s0] =	ssyncadd.s32 s1  }
0x186: {  	[sflag:s0] =	ssyncpa.u1 $0x1  }
0x187: {  	s29 =	simm.s32 $0x1;
	_ =	sfence  }
0x188: {  	s30 =	simm.s32 $0x2;
	[sflag:s29] =	ssyncpa.u1 $0x1  }
0x189: {  	[sflag:s30] =	ssyncpa.u1 $0x1  }
0x18a: {  	_ =	strace $0x9000004A  }
0x18b: {  	[bflag:$0x2] =	sbarrier.arrive $0xFFFF  }
0x18c: {  	s31 =	rddreg [dreg:$0x3]  }
0x18d: {  	s0 =	sadd.s32 $0x100000, s31  }
0x18e: {  	[sflag:s0] =	ssyncadd.tile.s32 $0x1;
	_ =	shalt  }
.Lfunc_end3:
_tile_overlayer_lowered:
.L_overlay_start_3:
0x18f: {  	(tag) =	ssettag $0x3  }
0x190: {  	s0 =	rddreg [dreg:$0x0];
	s2 =	stileid.u32  }
0x191: {  	s1 =	rddreg [dreg:$0x1];
	p0 =	sne.s32 s2, $0x0  }
0x192: {  	s3 =	rddreg [dreg:$0x2];
	[bflag:$0x3] =	sbarrier.arrive $0xFFFF;
	s2 =	simm.s32 @!p0 $0x1C01  }
0x193: {  	[timem:s3], [sflag:s2] =	dma.local @!p0 [hbm:s0], s1  }
0x194: {  	s0 =	simm.s32 @!p0 $0x1  }
0x195: {  	_ =	swait.ge @!p0 [sflag:s0], s1  }
0x196: {  	s1 =	ssub.s32 @!p0 $0x0, s1;
	[sflag:s0] =	ssyncset.done @!p0 $0x0  }
0x197: {  	[sflag:s0] =	ssyncadd.s32 @!p0 s1  }
0x198: {  	[bflag:$0x3] =	sbarrier.arrive $0xFFFF  }
0x199: {  	_ =	shalt  }

// kernel: scatter_offload_async_start
scs
__scs_entry_jumppad:
0x0: {  	(pc) =	sbr.rel $0x88, $3  }
0x1: {  	(tag) =	ssettag $0x0;
	lr =	simm.s32 $0x1  }
0x2: {  	[smem:$0x3F99] =	sst lr;
	_ =	strace $0xD0000000  }
0x3: {  	_ = 	snop  }
0x4: {  	_ = 	snop  }
0x5: {  	_ = 	snop  }
0x6: {  	_ = 	snop  }
0x7: {  	_ = 	snop  }
__scs_overlays_trampoline_lowered:
0x8: {  	[smem:$0x3FA8] =	sst s0  }
0x9: {  	[smem:$0x3FA9] =	sst s1  }
0xa: {  	[smem:$0x3FAA] =	sst s2  }
0xb: {  	[smem:$0x3FAB] =	sst s3  }
0xc: {  	[smem:$0x3FAC] =	sst s4  }
0xd: {  	[smem:$0x3FAD] =	sst s5  }
0xe: {  	[smem:$0x3FAE] =	sst s6  }
0xf: {  	[smem:$0x3FAF] =	sst s7  }
0x10: {  	[smem:$0x3FB0] =	sst s8  }
0x11: {  	[smem:$0x3FB1] =	sst s9;
	s0 =	simm.s32 @!p0 $0x0  }
0x12: {  	s1 =	sld [smem:$0x3F97];
	s0 =	simm.s32 @p0 $0x1  }
0x13: {  	[smem:$0x3FB2] =	sst s0;
	s0 =	simm.s32 @!p1 $0x0  }
0x14: {  	s2 =	sld [smem:$0x3F96];
	s0 =	simm.s32 @p1 $0x1  }
0x15: {  	[smem:$0x3FB3] =	sst s0;
	s0 =	simm.s32 @!p2 $0x0  }
0x16: {  	s3 =	sld [smem:$0x3FDB];
	s0 =	simm.s32 @p2 $0x1  }
0x17: {  	s4 =	simm.s32 $0x1BF5;
	[smem:$0x3FB5] =	sst s0  }
0x18: {  	s0 =	sld [smem:$0x3F98];
	_ =	swait.ge [sflag:s4], $0x0  }
0x19: {  	s7 =	sld [smem:$0x3F99]  }
0x1a: {  	s8 =	sadd.s32 $0xFFFFE003, lr  }
0x1b: {  	s9 =	sadd.s32 $0xFFFFFEF7, lr;
	s5 =	simm.s32 $0xFFFFFFFF;
	p2 =	slt.u32 s8, $0xFFFFF086  }
0x1c: {  	p1 =	slt.u32 s9, $0xF7A;
	s5 =	simm.s32 @!p2 $0x0  }
0x1d: {  	s5 =	simm.s32 @p1 $0x1;
	p0 =	seq.s32 s7, s2  }
0x1e: {  	s7 =	smul.u32 @!p0 $0xF7A, s2;
	p2 =	seq.s32 @!p0 s5, $0x0  }
0x1f: {  	s9 =	smul.u32 $0xF7A, s1;
	s8 =	simm.s32 @!p0 $0x1BF5;
	p2 =	por !p2, p0  }
0x20: {  	[sflag:s8] =	ssyncset.s32 @!p0 $0xFFFFF086;
	s6 =	sadd.s32 @!p0 s3, s7;
	s7 =	simm.s32 @!p0 $0x108  }
0x21: {  	s3 =	sadd.s32 s3, s9;
	s6 =	sadd.s32 @!p0 $0x88, s6;
	s7 =	simm.s32 @p2 $0x1082  }
0x22: {  	[simem:s7], [sflag:s8] =	dma.local @!p0 [hbm:s6], $0xF7A  }
0x23: {  	s9 =	sor.u32 $0xD0000000, s2;
	s6 =	simm.s32 $0x108;
	_ =	swait.ge @!p0 [sflag:s8], $0x0  }
0x24: {  	s3 =	sadd.s32 $0x88, s3;
	s6 =	simm.s32 @!p1 $0x1082;
	[sflag:s4] =	ssyncset.s32 $0xFFFFF086  }
0x25: {  	[simem:s6], [sflag:s4] =	dma.local [hbm:s3], $0xF7A  }
0x26: {  	[smem:$0x3F99] =	sst s1;
	(tag) =	ssettag s2;
	_ =	strace s9  }
0x27: {  	s1 =	sld [smem:$0x3FA9]  }
0x28: {  	s2 =	sld [smem:$0x3FAA]  }
0x29: {  	s4 =	sld [smem:$0x3FAC]  }
0x2a: {  	p0 =	seq.s32 s5, $0x0;
	s5 =	sld [smem:$0x3FAD]  }
0x2b: {  	s6 =	sld [smem:$0x3FAE]  }
0x2c: {  	s7 =	sld [smem:$0x3FAF]  }
0x2d: {  	s3 =	simm.s32 $0x108;
	s8 =	sld [smem:$0x3FB0]  }
0x2e: {  	s3 =	simm.s32 @!p0 $0x1082;
	s9 =	sld [smem:$0x3FB1]  }
0x2f: {  	lr =	sadd.s32 s0, s3;
	s0 =	sld [smem:$0x3FA8]  }
0x30: {  	s3 =	sld [smem:$0x3FAB]  }
0x31: {  	[smem:$0x3FB4] =	sst s10  }
0x32: {  	s10 =	sld [smem:$0x3FB2];
	_ =	sdelay $0x3  }
0x33: {  	p0 =	seq.s32 s10, $0x1;
	s10 =	sld [smem:$0x3FB4];
	_ =	sdelay $0x3  }
0x34: {  	[smem:$0x3FB4] =	sst s10  }
0x35: {  	s10 =	sld [smem:$0x3FB3];
	_ =	sdelay $0x3  }
0x36: {  	p1 =	seq.s32 s10, $0x1;
	s10 =	sld [smem:$0x3FB4];
	_ =	sdelay $0x3  }
0x37: {  	[smem:$0x3FB4] =	sst s10  }
0x38: {  	s10 =	sld [smem:$0x3FB5]  }
0x39: {  	_ = 	snop;
	(pc) =	sbr.ind lr, $3  }
0x3a: {  	_ = 	snop  }
0x3b: {  	_ = 	snop  }
0x3c: {  	p2 =	seq.s32 s10, $0x1;
	s10 =	sld [smem:$0x3FB4]  }
0x3d: {  	_ =	shalt  }
0x3e: {  	_ =	shalt  }
0x3f: {  	_ =	shalt  }
0x40: {  	_ =	shalt  }
0x41: {  	_ =	shalt  }
0x42: {  	_ =	shalt  }
0x43: {  	_ =	shalt  }
0x44: {  	_ =	shalt  }
0x45: {  	_ =	shalt  }
0x46: {  	_ =	shalt  }
0x47: {  	_ =	shalt  }
0x48: {  	_ =	shalt  }
0x49: {  	_ =	shalt  }
0x4a: {  	_ =	shalt  }
0x4b: {  	_ =	shalt  }
0x4c: {  	_ =	shalt  }
0x4d: {  	_ =	shalt  }
0x4e: {  	_ =	shalt  }
0x4f: {  	_ =	shalt  }
0x50: {  	_ =	shalt  }
0x51: {  	_ =	shalt  }
0x52: {  	_ =	shalt  }
0x53: {  	_ =	shalt  }
0x54: {  	_ =	shalt  }
0x55: {  	_ =	shalt  }
0x56: {  	_ =	shalt  }
0x57: {  	_ =	shalt  }
0x58: {  	_ =	shalt  }
0x59: {  	_ =	shalt  }
0x5a: {  	_ =	shalt  }
0x5b: {  	_ =	shalt  }
0x5c: {  	_ =	shalt  }
0x5d: {  	_ =	shalt  }
0x5e: {  	_ =	shalt  }
0x5f: {  	_ =	shalt  }
0x60: {  	_ =	shalt  }
0x61: {  	_ =	shalt  }
0x62: {  	_ =	shalt  }
0x63: {  	_ =	shalt  }
0x64: {  	_ =	shalt  }
0x65: {  	_ =	shalt  }
0x66: {  	_ =	shalt  }
0x67: {  	_ =	shalt  }
0x68: {  	_ =	shalt  }
0x69: {  	_ =	shalt  }
0x6a: {  	_ =	shalt  }
0x6b: {  	_ =	shalt  }
0x6c: {  	_ =	shalt  }
0x6d: {  	_ =	shalt  }
0x6e: {  	_ =	shalt  }
0x6f: {  	_ =	shalt  }
0x70: {  	_ =	shalt  }
0x71: {  	_ =	shalt  }
0x72: {  	_ =	shalt  }
0x73: {  	_ =	shalt  }
0x74: {  	_ =	shalt  }
0x75: {  	_ =	shalt  }
0x76: {  	_ =	shalt  }
0x77: {  	_ =	shalt  }
0x78: {  	_ =	shalt  }
0x79: {  	_ =	shalt  }
0x7a: {  	_ =	shalt  }
0x7b: {  	_ =	shalt  }
0x7c: {  	_ =	shalt  }
0x7d: {  	_ =	shalt  }
0x7e: {  	_ =	shalt  }
0x7f: {  	_ =	shalt  }
0x80: {  	_ =	shalt  }
0x81: {  	_ =	shalt  }
0x82: {  	_ =	shalt  }
0x83: {  	_ =	shalt  }
0x84: {  	_ =	shalt  }
0x85: {  	_ =	shalt  }
0x86: {  	_ =	shalt  }
0x87: {  	_ =	shalt  }
.Lfunc_end0:
.L_simem_size_0:
called_computation_lowered:
.L_overlay_start_0:
0x88: {  	s0 =	sld [smem:$0x3FD9]  }
0x89: {  	s1 =	sld [smem:$0x3FFE];
	_ =	sdelay $0x3  }
0x8a: {  	s0 =	sadd.s32 s1, s0  }
0x8b: {  	[smem:$0x3FC0] =	sst s0  }
0x8c: {  	_ = 	snop  }
0x8d: {  	(tm) =	ssettm $0x1  }
0x8e: {  	s14 =	sld [smem:$0x3FFB];
	_ =	sdelay $0x3  }
0x8f: {  	_ =	strace s14  }
0x90: {  	s0 =	sld [smem:$0x3FFC];
	_ =	sdelay $0x3  }
0x91: {  	_ =	strace s0  }
0x92: {  	s0 =	sld [smem:$0x3FFD];
	_ =	sdelay $0x3  }
0x93: {  	_ =	strace s0  }
0x94: {  	_ =	strace $0x8FFFFFFF  }
0x95: {  	s15 =	sld [smem:$0x3FDB];
	_ =	sdelay $0x1  }
0x96: {  	s16 =	simm.s32 $_scs_section_size  }
0x97: {  	s2 =	simm.s32 $_size__tile_overlayer_lowered;
	s3 =	simm.s32 $_tile_overlayer_lowered  }
0x98: {  	s4 =	simm.s32 $0x1BFF;
	s17 =	sshll.u32 s3, $0x1;
	s1 =	sadd.s32 s16, s15  }
0x99: {  	s18 =	simm.s32 $0x0;
	s2 =	sshll.u32 s2, $0x1;
	s3 =	sadd.s32 s17, s1  }
0x9a: {  	[timem:s18], [sflag:s4] =	dma.local [hbm:s3], s2  }
0x9b: {  	_ =	swait.ge [sflag:s4], s2  }
0x9c: {  	s2 =	ssub.s32 $0x0, s2;
	[sflag:s4] =	ssyncset.done $0x0  }
0x9d: {  	[sflag:s4] =	ssyncadd.s32 s2;
	_ =	sdelay $0x1  }
0x9e: {  	s19 =	simm.s32 $0x1B8B  }
0x9f: {  	_ =	swait.ge [sflag:s19], $0x1  }
0xa0: {  	[sflag:s19] =	ssyncset.done $0x0  }
0xa1: {  	s21 =	simm.s32 $0x1B8E;
	s20 =	sld [smem:$0x3FFE];
	[sflag:s19] =	ssyncadd.s32 $0xFFFFFFFF  }
0xa2: {  	s22 =	simm.s32 $execute0_lowered;
	[smem:$0x3FD2] =	sst s21  }
0xa3: {  	s3 =	sshll.u32 s22, $0x1;
	_ =	strace $0x8000004C;
	[dreg:$0x1] =	wrdreg $0xFFFFFFFF  }
0xa4: {  	s23 =	simm.s32 $_size_execute0_lowered;
	s3 =	sadd.s32 s1, s3;
	[dreg:$0x0] =	wrdreg $0x0  }
0xa5: {  	s4 =	sshll.u32 s23, $0x1;
	[dreg:$0x2] =	wrdreg s3  }
0xa6: {  	[dreg:$0x3] =	wrdreg s4  }
0xa7: {  	[dreg:$0x4] =	wrdreg $0xC0  }
0xa8: {  	s24 =	simm.s32 $execute1_lowered;
	_ =	task [dreg:s18], $0x5FFFF  }
0xa9: {  	s3 =	sshll.u32 s24, $0x1;
	[dreg:$0x1] =	wrdreg $0xFFFFFFFF  }
0xaa: {  	s1 =	sadd.s32 s1, s3;
	[dreg:$0x0] =	wrdreg $0x60  }
0xab: {  	[dreg:$0x2] =	wrdreg s1  }
0xac: {  	[dreg:$0x3] =	wrdreg s20  }
0xad: {  	[dreg:$0x4] =	wrdreg $0x9  }
0xae: {  	_ =	task.clear_ibuf [dreg:s18], $0x5FFFF;
	_ =	strace $0x9000004C  }
0xaf: {  	s25 =	simm.s32 $0x9;
	_ =	strace $0x8000004E  }
0xb0: {  	_ =	swait.ge [sflag:s25], $0x1  }
0xb1: {  	[sflag:s25] =	ssyncadd.s32 $0xFFFFFFFF  }
0xb2: {  	_ =	strace $0x9000004E  }
0xb3: {  	_ =	strace $0x8000004F;
	[dreg:$0x1] =	wrdreg $0xFFFFFFFF  }
0xb4: {  	[dreg:$0x0] =	wrdreg $0x2030  }
0xb5: {  	[dreg:$0x2] =	wrdreg s20  }
0xb6: {  	[dreg:$0x3] =	wrdreg $0xA  }
0xb7: {  	_ =	task.clear_ibuf [dreg:s18], $0x4FFFF;
	_ =	strace $0x9000004F  }
0xb8: {  	s26 =	simm.s32 $0xA;
	_ =	strace $0x80000051  }
0xb9: {  	_ =	swait.ge [sflag:s26], $0x1  }
0xba: {  	[sflag:s26] =	ssyncadd.s32 $0xFFFFFFFF  }
0xbb: {  	_ =	strace $0x90000051  }
0xbc: {  	_ =	sfence  }
0xbd: {  	s28 =	sld [smem:$0x0];
	_ =	sdelay $0x1  }
0xbe: {  	s29 =	srdreg.scid  }
0xbf: {  	s30 =	sshll.u32 s29, $0xD;
	s31 =	sshrl.u32 s29, $0x2  }
0xc0: {  	s2 =	sand.u32 $0x1, s29;
	s3 =	sand.u32 $0x4000, s30;
	s1 =	sadd.s32 s31, s28  }
0xc1: {  	s2 =	sor.u32 s3, s2;
	s1 =	sshll.u32 s1, $0x11  }
0xc2: {  	s1 =	sor.u32 s1, s2  }
0xc3: {  	s1 =	sadd.s32 $0x8F2B, s1  }
0xc4: {  	[sflag:s1] =	ssyncadd.remote.s32 $0x1  }
0xc5: {  	_ =	sfence.sel $0xFFFF  }
0xc6: {  	[dreg:$0x0] =	wrdreg $0xFFFFFFFF;
	(pc) =	sbr.abs _section_cstart, $3  }
0xc7: {  	[dreg:$0x1] =	wrdreg $0xFFFFFFFF  }
0xc8: {  	_ =	task.clear_ibuf [dreg:s18], $0x2FFFF;
	_ =	strace $0x9FFFFFFF  }
0xc9: {  	(tm) =	ssettm $0x7FFFFFFF  }
tec
execute0_lowered:
.L_overlay_start_1:
0x0: {  	(tag) =	ssettag $0x1  }
0x1: {  	s2 =	rddreg [dreg:$0x0]  }
0x2: {  	s4 =	rddreg [dreg:$0x1]  }
0x3: {  	s0 =	rddreg [dreg:$0x2];
	s5 =	stileid.u32;
	[bflag:$0x3] =	sbarrier.arrive $0xFFFF  }
0x4: {  	s1 =	simm.s32 $_size_execute1_lowered;
	s9 =	simm.s32 $0x1;
	s31 =	simm.s32 $0x2  }
0x5: {  	s10 =	simm.s32 $0x0;
	p0 =	sne.s32 s5, $0x0;
	s1 =	sshll.u32 s1, $0x1  }
0x6: {  	p1 =	seq.s32 s5, $0x0;
	s3 =	simm.s32 @!p0 $0x1C3F;
	s6 =	simm.s32 @!p0 $0x4060  }
0x7: {  	[timem:s6], [sflag:s3] =	dma.local @!p0 [hbm:s2], s1  }
0x8: {  	s9 =	simm.s32 @!p1 $0x0;
	s2 =	smul.u32 $0x280, s5;
	s6 =	simm.s32 @!p0 $0x2800  }
0x9: {  	s3 =	simm.s32 $0x0;
	s5 =	simm.s32 $0x1;
	s6 =	simm.s32 @p0 $0x0  }
.Ltmp0:
0xa: {  	_ =	strace $0x8000004D;
	s8 =	ssub.s32 $0x2800, s2;
	(pc) =	sbr.rel .LBB2_1-.Ltmp0, $4  }
0xb: {  	s30 =	sshrl.u32 s2, $0x3;
	p1 =	sne.s32 s8, s6;
	s6 =	simm.s32 $0x1  }
0xc: {  	[sflag:s5] =	ssyncpa.u1 $0x0;
	s7 =	sadd.s32 s30, s4;
	s6 =	simm.s32 @!p1 $0x0  }
0xd: {  	s4 =	sadd.s32 $0x62C00, s4;
	[sflag:s31] =	ssyncpa.u1 $0x0;
	s6 =	sadd.s32 s9, s6  }
0xe: {  	s7 =	sadd.s32 $0xB2C00, s7;
	s9 =	simm.s32 $0x0;
	s8 =	sadd.s32 $0x1, s6  }
.LBB2_7:
0xf: {  	p2 =	sne.s32 s9, s8  }
.Ltmp1:
0x10: {  	p1 =	slt.u32 s9, $0x2;
	(pc) =	sbr.rel @!p2 .LBB2_8-.Ltmp1, $4  }
0x11: {  	s10 =	simm.s32 @!p1 $0x2  }
0x12: {  	_ =	swait.ge @!p1 [sflag:s10], $0x280  }
0x13: {  	s11 =	sadd.s32 $0x1, s9;
	[sflag:s10] =	ssyncset.done @!p1 $0x0  }
0x14: {  	s9 =	smov.u32 s11;
	[sflag:s10] =	ssyncadd.s32 @!p1 $0xFFFFFD80;
	s10 =	smov.u32 s2  }
.LBB2_1:
0x15: {  	p1 =	sge.u32 s9, s6  }
0x16: {  	s11 =	sxor.u32 @!p1 $0x1, s9  }
0x17: {  	s11 =	smul.u32 @!p1 $0xA00, s11;
	_ =	sdelay $0x1  }
0x18: {  	s31 =	sadd.s32 $0xFFFFFFFF, s9;
	s12 =	simm.s32 @!p1 $0x0;
	s11 =	sshra.s32 @!p1 s11, $0x2  }
0x19: {  	[tilespmem:s11], [sflag:$0x1] =	stream.linear.gather @!p1 [hbm4b:s7+s12], $0x280, $0x38;
	[tilespmem:$0xA00] =	vst v63  }
0x1a: {  	p1 =	sge.u32 s31, s6  }
.Ltmp2:
0x1b: {  	_ = 	snop;
	(pc) =	sbr.rel @p1 .LBB2_7-.Ltmp2, $1  }
0x1c: {  	_ =	sdelay $0x3  }
0x1d: {  	s11 =	sand.u32 $0x1, s9  }
0x1e: {  	s12 =	simm.s32 $0x280;
	p1 =	seq.s32 s11, $0x1  }
0x1f: {  	s12 =	simm.s32 @!p1 $0x0  }
0x20: {  	v0 =	vmov s12  }
0x21: {  	_ =	swait.ge [sflag:s5], $0x280  }
0x22: {  	[sflag:s5] =	ssyncset.done $0x0;
	s11 =	sor.u32 $0x500, s12  }
0x23: {  	s13 =	simm.s32 $0x0;
	[sflag:s5] =	ssyncadd.s32 $0xFFFFFD80;
	p1 =	por $0x1, $0x1;
	v1 =	vmov s11  }
.LBB2_3:
0x24: {  	s14 =	sor.u32 $0x10, s13  }
0x25: {  	v2 =	vld.idx.msk [tilespmem:v0+s14+$0x0 ss:$0x1], $0xffff  }
0x26: {  	s15 =	sor.u32 $0x20, s13;
	v60 =	vld.idx.msk [tilespmem:v0+s13+$0x0 ss:$0x1], $0xffff  }
0x27: {  	s16 =	sor.u32 $0x30, s13;
	v3 =	vld.idx.msk [tilespmem:v0+s15+$0x0 ss:$0x1], $0xffff  }
0x28: {  	s17 =	sor.u32 $0x40, s13;
	v4 =	vld.idx.msk [tilespmem:v0+s16+$0x0 ss:$0x1], $0xffff  }
0x29: {  	s19 =	sor.u32 $0x60, s13;
	v5 =	vld.idx.msk [tilespmem:v0+s17+$0x0 ss:$0x1], $0xffff  }
0x2a: {  	s18 =	sor.u32 $0x50, s13;
	[tilespmem:v1+s14+$0x0 ss:$0x1] =	vst.idx.msk $0xffff, v2;
	v2 =	vld.idx.msk [tilespmem:v0+s19+$0x0 ss:$0x1], $0xffff  }
0x2b: {  	s23 =	sor.u32 $0x80, s13;
	v6 =	vld.idx.msk [tilespmem:v0+s18+$0x0 ss:$0x1], $0xffff;
	[tilespmem:v1+s13+$0x0 ss:$0x1] =	vst.idx.msk $0xffff, v60  }
0x2c: {  	s24 =	sor.u32 $0x90, s13;
	v58 =	vld.idx.msk [tilespmem:v0+s23+$0x0 ss:$0x1], $0xffff;
	[tilespmem:v1+s15+$0x0 ss:$0x1] =	vst.idx.msk $0xffff, v3  }
0x2d: {  	s22 =	sor.u32 $0x70, s13;
	v59 =	vld.idx.msk [tilespmem:v0+s24+$0x0 ss:$0x1], $0xffff;
	[tilespmem:v1+s16+$0x0 ss:$0x1] =	vst.idx.msk $0xffff, v4  }
0x2e: {  	s25 =	sor.u32 $0xA0, s13;
	v3 =	vld.idx.msk [tilespmem:v0+s22+$0x0 ss:$0x1], $0xffff;
	[tilespmem:v1+s17+$0x0 ss:$0x1] =	vst.idx.msk $0xffff, v5  }
0x2f: {  	s28 =	sor.u32 $0xC0, s13;
	[tilespmem:v1+s19+$0x0 ss:$0x1] =	vst.idx.msk $0xffff, v2;
	v2 =	vld.idx.msk [tilespmem:v0+s25+$0x0 ss:$0x1], $0xffff  }
0x30: {  	s29 =	sor.u32 $0xD0, s13;
	v61 =	vld.idx.msk [tilespmem:v0+s28+$0x0 ss:$0x1], $0xffff;
	[tilespmem:v1+s18+$0x0 ss:$0x1] =	vst.idx.msk $0xffff, v6  }
0x31: {  	s30 =	sor.u32 $0xE0, s13;
	v62 =	vld.idx.msk [tilespmem:v0+s29+$0x0 ss:$0x1], $0xffff;
	[tilespmem:v1+s23+$0x0 ss:$0x1] =	vst.idx.msk $0xffff, v58  }
0x32: {  	s26 =	sor.u32 $0xB0, s13;
	v63 =	vld.idx.msk [tilespmem:v0+s30+$0x0 ss:$0x1], $0xffff;
	[tilespmem:v1+s24+$0x0 ss:$0x1] =	vst.idx.msk $0xffff, v59  }
0x33: {  	s31 =	sor.u32 $0xF0, s13;
	[tilespmem:v1+s22+$0x0 ss:$0x1] =	vst.idx.msk $0xffff, v3;
	v3 =	vld.idx.msk [tilespmem:v0+s26+$0x0 ss:$0x1], $0xffff  }
0x34: {  	p2 =	por p1, p1;
	[tilespmem:v1+s25+$0x0 ss:$0x1] =	vst.idx.msk $0xffff, v2;
	v2 =	vld.idx.msk [tilespmem:v0+s31+$0x0 ss:$0x1], $0xffff  }
.Ltmp3:
0x35: {  	[tilespmem:v1+s28+$0x0 ss:$0x1] =	vst.idx.msk $0xffff, v61;
	(pc) =	sbr.rel @p2 .LBB2_3-.Ltmp3, $4  }
0x36: {  	[tilespmem:v1+s29+$0x0 ss:$0x1] =	vst.idx.msk $0xffff, v62  }
0x37: {  	[tilespmem:v1+s30+$0x0 ss:$0x1] =	vst.idx.msk $0xffff, v63  }
0x38: {  	[tilespmem:v1+s26+$0x0 ss:$0x1] =	vst.idx.msk $0xffff, v3  }
0x39: {  	p1 =	por $0x0, $0x0;
	s13 =	simm.s32 $0x100;
	[tilespmem:v1+s31+$0x0 ss:$0x1] =	vst.idx.msk $0xffff, v2  }
0x3a: {  	s13 =	sadd.s32 $0x700, s12;
	s12 =	sadd.s32 $0x200, s12;
	s14 =	simm.s32 $0x1F0  }
.LBB2_5:
0x3b: {  	s14 =	sadd.s32 $0x10, s14  }
0x3c: {  	v0 =	vld [tilespmem:s12+$0x0];
	p1 =	slt.u32 s14, $0x270  }
.Ltmp4:
0x3d: {  	_ = 	snop;
	(pc) =	sbr.rel @p1 .LBB2_5-.Ltmp4, $2  }
0x3e: {  	_ =	sdelay $0x2  }
0x3f: {  	s12 =	sadd.s32 $0x10, s12;
	[tilespmem:s13+$0x0] =	vst v0;
	s13 =	sadd.s32 $0x10, s13  }
.Ltmp5:
0x40: {  	(pc) =	sbr.rel .LBB2_7-.Ltmp5, $4  }
0x41: {  	_ = 	snop  }
0x42: {  	s10 =	sshrl.u32 s10, $0x3  }
0x43: {  	s10 =	sadd.s32 s4, s10  }
0x44: {  	[hbm4b:s10+s3] =	stream.linear.scatter [tilespmem:s11], [sflag:$0x2], $0x280, $0x38;
	[tilespmem:$0xA00] =	vst v63  }
.LBB2_8:
0x45: {  	_ =	sfence.sel $0x180000  }
0x46: {  	s2 =	simm.s32 $0x1;
	[bflag:$0x0] =	sbarrier.arrive $0xFFFF  }
0x47: {  	s31 =	simm.s32 $0x2;
	[sflag:s2] =	ssyncpa.u1 $0x1  }
0x48: {  	[sflag:s31] =	ssyncpa.u1 $0x1  }
0x49: {  	_ =	strace $0x9000004D  }
0x4a: {  	s0 =	sadd.s32 @!p0 $0x100000, s0;
	[bflag:$0x2] =	sbarrier.arrive $0xFFFF  }
0x4b: {  	[sflag:s0] =	ssyncadd.tile.s32 @!p0 $0x1;
	s0 =	simm.s32 @!p0 $0x3F  }
0x4c: {  	_ =	swait.ge @!p0 [sflag:s0], s1  }
0x4d: {  	s1 =	ssub.s32 @!p0 $0x0, s1;
	[sflag:s0] =	ssyncset.done @!p0 $0x0  }
0x4e: {  	[sflag:s0] =	ssyncadd.s32 @!p0 s1  }
0x4f: {  	[bflag:$0x3] =	sbarrier.arrive $0xFFFF  }
0x50: {  	_ =	shalt  }
.Lfunc_end2:
execute1_lowered:
.L_overlay_start_2:
0x51: {  	(tag) =	ssettag $0x2  }
0x52: {  	s0 =	rddreg [dreg:$0x0];
	_ =	strace $0x80000050;
	s15 =	stileid.u32  }
0x53: {  	s2 =	simm.s32 $0x1;
	s1 =	smin.u32 s15, $0x8;
	s3 =	sshll.u32 s15, $0x1  }
0x54: {  	v1 =	vimm.s32 $0xFFFFFFFF;
	[sflag:s2] =	ssyncpa.u1 $0x0;
	s1 =	sadd.s32 s1, s3  }
0x55: {  	p0 =	slt.u32 s15, $0x8;
	[tilespmem:$0x10] =	vst v1;
	s4 =	smul.u32 $0x1F40, s1;
	s1 =	simm.s32 $0x5DC0  }
0x56: {  	v0 =	vimm.f32 $0.0e+00;
	[tilespmem:$0x20] =	vst v1;
	s1 =	simm.s32 @!p0 $0x3E80  }
0x57: {  	[tilespmem:$0x30] =	vst v0;
	s1 =	sadd.s32 s1, s4  }
0x58: {  	[tilespmem:$0x40] =	vst v0;
	s5 =	smin.u32 s1, $0x4E200  }
0x59: {  	s7 =	simm.s32 $0x2;
	s8 =	simm.s32 $0x8;
	[tilespmem:$0x50] =	vst v0;
	s9 =	ssub.s32 s5, s4  }
0x5a: {  	s31 =	simm.s32 $0x9;
	s16 =	simm.s32 $0x0;
	[tilespmem:$0x60] =	vst v1;
	p0 =	sgt.s32 s9, $0x0  }
0x5b: {  	s17 =	simm.s32 $0xF0;
	s18 =	simm.s32 $0xFFFFFFFF;
	[tilespmem:$0x70] =	vst v1;
	s9 =	simm.s32 @!p0 $0x0  }
0x5c: {  	s19 =	simm.s32 $0xFFFFC280;
	s20 =	simm.s32 $0xFFFFFFFE;
	[tilespmem:$0x80] =	vst v1;
	s30 =	smulhi.u32 $0x10624DD3, s9  }
0x5d: {  	s21 =	simm.s32 $0xF;
	s25 =	simm.s32 $0x0;
	s24 =	simm.s32 $0x0;
	v1 =	vimm.s32 $0x0;
	[tilespmem:$0xB0] =	vst v0  }
0x5e: {  	s6 =	sadd.s32 $0xE00, s0;
	s15 =	sshllo.u32 s15, $0x1;
	[tilespmem:$0x90] =	vst v1;
	s10 =	sshrl.u32 s30, $0x9  }
0x5f: {  	[tilespmem:$0xA0] =	vst v1;
	[sflag:s7] =	ssyncpa.u1 $0x0;
	s7 =	simm.s32 $0x7;
	s11 =	smul.u32 $0x1F40, s10  }
.Ltmp6:
0x60: {  	s13 =	sor.u32 $0x80, s3;
	[sflag:s7] =	ssyncpa.u1 $0x0;
	(pc) =	sbr.rel .LBB3_1-.Ltmp6, $4  }
0x61: {  	s14 =	sor.u32 $0x81, s3;
	[sflag:s8] =	ssyncpa.u1 $0x0;
	p0 =	sne.s32 s9, s11  }
0x62: {  	s23 =	smov.u32 s4;
	s1 =	sadd.s32 $0x62C00, s0;
	s2 =	simm.s32 @!p0 $0x0  }
0x63: {  	vm0 =	vmmov $0xffff;
	v2 =	vlaneseq.u32;
	[sflag:s31] =	ssyncpa.u1 $0x0;
	s9 =	sadd.s32 $0xAC00, s0;
	s10 =	sadd.s32 s2, s10  }
0x64: {  	vm1 =	vmxor vm1, vm1;
	vm2 =	vmmov $0x1;
	vm3 =	vcmask $0x3F3C;
	p0 =	por $0x0, $0x0;
	s11 =	sadd.s32 $0x1, s10;
	s12 =	sadd.s32 $0x2, s10  }
.LBB3_9:
0x65: {  	p1 =	slt.u32 s24, $0x3  }
0x66: {  	s0 =	simm.s32 @!p1 $0x2  }
0x67: {  	_ =	swait.ge @!p1 [sflag:s0], $0x1F40  }
0x68: {  	[sflag:s0] =	ssyncset.done @!p1 $0x0  }
0x69: {  	[sflag:s0] =	ssyncadd.s32 @!p1 $0xFFFFE0C0;
	s0 =	simm.s32 @!p1 $0x9  }
0x6a: {  	_ =	swait.ge @!p1 [sflag:s0], $0x10  }
0x6b: {  	[sflag:s0] =	ssyncset.done @!p1 $0x0  }
0x6c: {  	[sflag:s0] =	ssyncadd.s32 @!p1 $0xFFFFFFF0;
	p1 =	sne.s32 s24, s12  }
.Ltmp7:
0x6d: {  	s2 =	sadd.s32 $0x1F40, s23;
	(pc) =	sbr.rel @!p1 .LBB3_10-.Ltmp7, $4  }
0x6e: {  	s22 =	smov.u32 s4;
	s31 =	sadd.s32 $0x1, s24;
	s17 =	sadd.s32 $0x1F40, s17  }
0x6f: {  	s18 =	sadd.s32 $0x1, s18;
	s25 =	smov.u32 s23;
	p2 =	slt.s32 s2, s5  }
0x70: {  	p0 =	por !p0, !p0;
	s19 =	sadd.s32 $0x1F40, s19;
	s22 =	smov.u32 @p2 s2  }
0x71: {  	s20 =	sadd.s32 $0x1, s20;
	s23 =	smov.u32 s22;
	s24 =	smov.u32 s31  }
.LBB3_1:
0x72: {  	p1 =	sge.u32 s24, s10  }
0x73: {  	s0 =	smulhi.u32 @!p1 $0xAAAAAAAB, s24;
	_ =	sdelay $0x1  }
0x74: {  	s0 =	sshrl.u32 @!p1 s0, $0x1  }
0x75: {  	s0 =	smul.u32 @!p1 $0x3, s0;
	_ =	sdelay $0x1  }
0x76: {  	s0 =	ssub.s32 @!p1 s24, s0  }
0x77: {  	s0 =	smul.u32 @!p1 $0x7D00, s0;
	_ =	sdelay $0x1  }
0x78: {  	s2 =	sshrl.u32 @!p1 s23, $0x3;
	s0 =	sshrl.u32 @!p1 s0, $0x2  }
0x79: {  	s22 =	sand.u32 @!p1 $0x7, s23;
	s2 =	sadd.s32 @!p1 s6, s2;
	s0 =	sadd.s32 @!p1 $0x100, s0  }
0x7a: {  	[tilespmem:s0], [sflag:$0x7] =	stream.linear.gather @!p1 [hbm4b:s2+s22], $0x1F40, $0x38;
	[tilespmem:$0x11A60] =	vst v63  }
0x7b: {  	s0 =	sadd.s32 $0xFFFFFFFF, s24  }
0x7c: {  	p1 =	sge.u32 s0, s10  }
.Ltmp8:
0x7d: {  	_ = 	snop;
	(pc) =	sbr.rel @p1 .LBB3_5-.Ltmp8, $1  }
0x7e: {  	_ =	sdelay $0x3  }
0x7f: {  	s2 =	smulhi.u32 $0xAAAAAAAB, s0;
	_ =	sdelay $0x1  }
0x80: {  	s2 =	sshrl.u32 s2, $0x1  }
0x81: {  	s2 =	smul.u32 $0x3, s2;
	_ =	sdelay $0x1  }
0x82: {  	s2 =	ssub.s32 s0, s2  }
0x83: {  	s2 =	smul.u32 $0x7D00, s2  }
0x84: {  	_ =	swait.ge [sflag:s7], $0x1F40  }
0x85: {  	[sflag:s7] =	ssyncset.done $0x0;
	s2 =	sshrl.u32 s2, $0x2  }
0x86: {  	[sflag:s7] =	ssyncadd.s32 $0xFFFFE0C0;
	(ifvalue) =	ssetifvalue $0xFFFFFFFF;
	v3 =	vld.msk [tilespmem:s2+$0x100 ss:$0x1], $0xffff;
	_ =	sdelay $0x2  }
0x87: {  	s30 =	smulhi.u32 $0xAAAAAAAB, s18;
	p1 =	sne.s32 s24, $0x1  }
0x88: {  	v4 =	vimm.s32 @!p1 $0x0  }
0x89: {  	s2 =	sshrl.u32 s30, $0x1;
	v4 =	vperm.xlane @!p1 v3, v4  }
0x8a: {  	s22 =	sshll.u32 s24, $0x4;
	s2 =	smul.u32 $0xFFFE8900, s2;
	vm4 =	vlt.u32 v3, $0x2800  }
0x8b: {  	s22 =	sand.u32 $0x10, s22;
	v3 =	vnsel vm4, $0xFFFFFFFE, v3;
	vm4 =	vlt.u32 @!p1 v4, $0x2800  }
0x8c: {  	s2 =	sshra.s32 s2, $0x2;
	[tilespmem:s22+$0x60] =	vst v3;
	v3 =	vnsel @!p1 vm4, $0xFFFFFFFE, v4  }
0x8d: {  	s28 =	sadd.s32 s2, s17;
	[tilespmem:$0x80] =	vst @!p1 v3  }
0x8e: {  	v3 =	vld.msk [tilespmem:s28+$0x0 ss:$0x1], $0xffff;
	_ =	sdelay $0x4  }
0x8f: {  	(xrf1) =	vunique.msk.u32 $0xffff, v3;
	_ =	sdelay $0xd  }
0x90: {  	v4 =	vimm.s32 $0xFFFFFFFF;
	v5, _, _ =	vpop (xrf1)  }
0x91: {  	vm5 =	vne.s32 v3, v4;
	vm4 =	veq.s32 v5, v2  }
0x92: {  	vm6 =	vlt.u32 v3, $0x2800;
	vm4 =	vmand vm5, vm4  }
0x93: {  	vm4 =	vmand vm6, vm4  }
0x94: {  	v4 =	vnsel vm4, $0xFFFFFFFF, v3  }
0x95: {  	s31 =	sand.u32 $0x1, s0  }
0x96: {  	s0 =	simm.s32 $0x1F40;
	p1 =	seq.s32 s31, $0x1  }
0x97: {  	s0 =	simm.s32 @!p1 $0x0  }
0x98: {  	s26 =	sadd.s32 $0x7DF0, s0;
	(ifvalue) =	ssetifvalue $0xFFFFFFFF  }
0x99: {  	v3 =	vperm.xlane v3, v1;
	[tilespmem:s26], [sflag:$0x8] =	stream.indirect_vreg.gather [hbm4b:s1+s16], $0x1, v4, vm0, $0x4038;
	v4 =	vnsel vm6, $0xFFFFFFFE, v4;
	[tilespmem:$0x11A60] =	vst v63  }
0x9a: {  	s2 =	simm.s32 $0x0;
	s22 =	sadd.s32 $0xFFFFFFF0, s28;
	[tilespmem:s28+$0x0] =	vst v4  }
.LBB3_3:
0x9b: {  	v4 =	vld.msk [tilespmem:s22+$0x0 ss:$0x1], $0xffff;
	s2 =	sadd.s32 $0x10, s2;
	v5 =	vmov v3;
	s28 =	smov.u32 s22  }
0x9c: {  	p1 =	slt.u32 s2, $0x1F30;
	_ =	sdelay $0x4  }
0x9d: {  	v3 =	vperm.xlane v4, v1;
	(xrf1) =	vunique.msk.u32 $0xffff, v4;
	_ =	sdelay $0xd  }
0x9e: {  	v6, _, _ =	vpop (xrf1)  }
0x9f: {  	vm5 =	vne.s32 v4, v5;
	vm4 =	veq.s32 v6, v2  }
0xa0: {  	vm6 =	vlt.u32 v4, $0x2800;
	vm4 =	vmand vm5, vm4  }
0xa1: {  	vm4 =	vmand vm6, vm4  }
0xa2: {  	v4 =	vnsel vm4, $0xFFFFFFFF, v4  }
.Ltmp9:
0xa3: {  	v5 =	vnsel vm6, $0xFFFFFFFE, v4;
	(pc) =	sbr.rel @p1 .LBB3_3-.Ltmp9, $3  }
0xa4: {  	_ =	sdelay $0x1  }
0xa5: {  	s22 =	sadd.s32 $0xFFFFFFF0, s22;
	s26 =	sadd.s32 $0xFFFFFFF0, s26;
	(ifvalue) =	ssetifvalue $0xFFFFFFFF  }
0xa6: {  	[tilespmem:s26], [sflag:$0x8] =	stream.indirect_vreg.gather [hbm4b:s1+s16], $0x1, v4, vm0, $0x4038;
	[tilespmem:s28+$0x0] =	vst v5  }
0xa7: {  	s2 =	sshrl.u32 s25, $0x3  }
0xa8: {  	s0 =	sadd.s32 $0x9D40, s0;
	s2 =	sadd.s32 s9, s2  }
0xa9: {  	[tilespmem:s0], [sflag:$0x8] =	stream.linear.gather [hbm:s2], $0x1F40, $0x38;
	[tilespmem:$0x11A60] =	vst v63  }
.LBB3_5:
0xaa: {  	p1 =	slt.u32 s24, $0x2  }
0xab: {  	p2 =	sge.u32 @!p1 s24, s12  }
0xac: {  	p1 =	por p1, p2  }
.Ltmp10:
0xad: {  	_ = 	snop;
	(pc) =	sbr.rel @p1 .LBB3_9-.Ltmp10, $1  }
0xae: {  	_ =	sdelay $0x3  }
0xaf: {  	s0 =	sadd.s32 $0xFFFFFFFE, s24  }
0xb0: {  	s2 =	smulhi.u32 $0xAAAAAAAB, s0;
	_ =	sdelay $0x1  }
0xb1: {  	s2 =	sshrl.u32 s2, $0x1  }
0xb2: {  	s2 =	smul.u32 $0x3, s2;
	_ =	sdelay $0x1  }
0xb3: {  	s0 =	ssub.s32 s0, s2  }
0xb4: {  	_ =	swait.ge [sflag:s8], $0x3E80;
	s0 =	smul.u32 $0x1F40, s0  }
0xb5: {  	p1 =	sne.s32 s24, s11;
	[sflag:s8] =	ssyncset.done $0x0  }
0xb6: {  	[sflag:s8] =	ssyncadd.s32 $0xFFFFC180;
	s2 =	sadd.s32 @!p1 $0x203F, s0  }
0xb7: {  	[spmem:s14] =	stream.linear.scatter @!p1 [tilespmem:s2], [sflag:$0x1], $0x1, $0x38;
	[tilespmem:$0x11A60] =	vst v63  }
0xb8: {  	s2 =	simm.s32 @!p1 $0x1  }
0xb9: {  	_ =	swait.ge @!p1 [sflag:s2], $0x1  }
0xba: {  	s22 =	sshll.u32 s24, $0x4;
	[sflag:s2] =	ssyncset.done @!p1 $0x0  }
0xbb: {  	s25 =	sand.u32 $0x10, s22;
	[sflag:s2] =	ssyncadd.s32 @!p1 $0xFFFFFFFF  }
0xbc: {  	s2 =	sxor.u32 $0x10, s25;
	v4 =	vld [tilespmem:s25+$0x10]  }
0xbd: {  	v5 =	vld [tilespmem:s2+$0x60]  }
0xbe: {  	v3 =	vld [tilespmem:$0x80];
	_ =	sdelay $0x2  }
0xbf: {  	(v2sf) =	vpush v4, $0x0  }
0xc0: {  	(v2sf) =	vpush v5, $0x0  }
0xc1: {  	(v2sf) =	vpush v3, $0x0;
	_ =	sdelay $0xc  }
0xc2: {  	s22 =	spop (v2sf)  }
0xc3: {  	s26 =	spop (v2sf)  }
0xc4: {  	s28 =	spop (v2sf)  }
0xc5: {  	p2 =	seq.s32 s22, s26;
	p3 =	seq.s32 s28, s22  }
0xc6: {  	p3 =	por p2, p3  }
0xc7: {  	s26 =	sand.u32 $0x1, s24;
	v4 =	vpsel p3, $0xFFFFFFFF, v4  }
0xc8: {  	s29 =	smul.u32 $0x1F40, s26;
	[tilespmem:s25+$0x10] =	vst.msk $0x1, v4  }
0xc9: {  	v4 =	vld [tilespmem:$0x30]  }
0xca: {  	v5 =	vld [tilespmem:s29+$0x9D40]  }
0xcb: {  	v6 =	vld [tilespmem:s25+$0x40];
	_ =	sdelay $0x3  }
0xcc: {  	vm4 =	vmmov vm1;
	v5 =	vadd.f32 v5, v4  }
0xcd: {  	vm5 =	vmmov vm2;
	vm4 =	vmmov @p2 vm2;
	s22 =	sshll.u32 s26, $0x4;
	v4 =	vadd.f32 v6, v4  }
0xce: {  	s26 =	sor.u32 $0x11A40, s22;
	vm5 =	vmmov @p3 vm1;
	[tilespmem:s29+$0x9D40] =	vst.msk vm4, v5  }
0xcf: {  	[tilespmem:s26+$0x0] =	vst.msk vm5, v4  }
0xd0: {  	v4 =	vld [tilespmem:s29+$0x7DF0];
	_ =	sdelay $0x3  }
0xd1: {  	v5 =	vimm.f32 $0.0e+00  }
0xd2: {  	v4 =	vshift.insert v4, v5, s21  }
0xd3: {  	s22 =	sor.u32 $0x40, s2  }
0xd4: {  	[tilespmem:s22+$0x0] =	vst.msk $0x1, v4  }
0xd5: {  	[tilespmem:s29+$0x7DFF] =	vst.msk $0x1, v5  }
0xd6: {  	v4 =	vld [tilespmem:s0+$0x2030];
	_ =	sdelay $0x1  }
0xd7: {  	s22 =	smulhi.u32 $0xAAAAAAAB, s20;
	s0 =	simm.s32 $0x1  }
0xd8: {  	s0 =	simm.s32 @!p0 $0x0  }
0xd9: {  	s22 =	sshrl.u32 s22, $0x1;
	s0 =	smul.u32 $0x7D00, s0  }
0xda: {  	s22 =	smul.u32 $0xFFFE8900, s22;
	v4 =	vshift.insert v4, v1, s21  }
0xdb: {  	s0 =	sshrl.u32 s0, $0x2  }
0xdc: {  	s22 =	sshra.s32 s22, $0x2;
	s30 =	sadd.s32 $0x9D40, s0;
	[tilespmem:s2+$0x10] =	vst.msk $0x1, v4  }
0xdd: {  	s22 =	sadd.s32 s22, s19;
	v6 =	vld [tilespmem:s30+$0x0]  }
0xde: {  	v7 =	vld [tilespmem:s22+$0x0];
	_ =	sdelay $0x3  }
0xdf: {  	v5 =	vadd.f32 v6, v5  }
0xe0: {  	vm4 =	vne.s32 v7, $0xFFFFFFFF  }
0xe1: {  	(xrf2) =	vadd.seg.scan.f32 vm4, v5;
	_ =	sdelay $0x3  }
0xe2: {  	s31 =	sadd.s32 $0x5EC0, s0;
	v5 =	vperm.xlane v4, v1  }
0xe3: {  	v6 =	vld [tilespmem:s31+$0x0]  }
0xe4: {  	vm5 =	veq.s32 v7, v3;
	vm6 =	veq.s32 v7, v5  }
0xe5: {  	vm7 =	vgt.u32 v7, $0xFFFFFFFD;
	vm6 =	vmor vm6, vm5  }
0xe6: {  	vm6 =	vmor vm6, vm7  }
0xe7: {  	v9 =	vld [tilespmem:$0xA0];
	v7 =	vsel vm6, $0xFFFFFFFF, v7  }
0xe8: {  	v10 =	vld [tilespmem:$0x90];
	v6 =	vsel vm5, $0x0, v6;
	v8, _, _ =	vpop (xrf2)  }
0xe9: {  	v6 =	vadd.f32 v8, v6  }
0xea: {  	s0 =	sadd.s32 $0xDBC0, s0  }
0xeb: {  	vm4 =	vmand vm4, vm3;
	[tilespmem:s0+$0x0] =	vst v6;
	(ifvalue) =	ssetifvalue $0xFFFFFFFF  }
0xec: {  	vm6 =	veq.s32 v9, $0x1;
	[hbm4b:s1+s16] =	stream.indirect_vreg.scatter [tilespmem:s0], [sflag:$0x2], $0x1, v7, vm0, $0x4038;
	v7 =	vsel vm4, $0x0, v8;
	[tilespmem:$0x11A60] =	vst v63  }
0xed: {  	s2 =	simm.s32 $0x0;
	s22 =	sadd.s32 $0x10, s22;
	vm4 =	vmor vm6, vm5;
	v6 =	vsel vm5, v8, v10;
	v7 =	vshift.insert v7, v0, s21  }
.LBB3_7:
0xee: {  	v8 =	vld [tilespmem:s22+$0x0];
	s30 =	sadd.s32 $0x10, s30  }
0xef: {  	s31 =	sadd.s32 $0x10, s31;
	v9 =	vld [tilespmem:s30+$0x0]  }
0xf0: {  	s2 =	sadd.s32 $0x10, s2;
	v10 =	vld [tilespmem:s31+$0x0]  }
0xf1: {  	p2 =	slt.u32 s2, $0x1F30;
	_ =	sdelay $0x2  }
0xf2: {  	v7 =	vadd.f32 v9, v7  }
0xf3: {  	vm5 =	vne.s32 v8, $0xFFFFFFFF  }
0xf4: {  	vm6 =	vmand vm5, vm3;
	(xrf2) =	vadd.seg.scan.f32 vm5, v7;
	_ =	sdelay $0x5  }
0xf5: {  	vm7 =	veq.s32 v8, v5;
	vm5 =	veq.s32 v8, v3  }
0xf6: {  	vm8 =	vgt.u32 v8, $0xFFFFFFFD;
	vm4 =	vmor vm4, vm5;
	vm7 =	vmor vm7, vm5  }
0xf7: {  	vm7 =	vmor vm7, vm8  }
0xf8: {  	v8 =	vsel vm7, $0xFFFFFFFF, v8  }
.Ltmp11:
0xf9: {  	v7 =	vsel vm5, $0x0, v10;
	v9, _, _ =	vpop (xrf2);
	(pc) =	sbr.rel @p2 .LBB3_7-.Ltmp11, $4  }
0xfa: {  	v6 =	vsel vm5, v9, v6;
	v10 =	vadd.f32 v9, v7;
	v7 =	vsel vm6, $0x0, v9  }
0xfb: {  	s0 =	sadd.s32 $0x10, s0;
	v7 =	vshift.insert v7, v0, s21  }
0xfc: {  	s22 =	sadd.s32 $0x10, s22;
	[tilespmem:s0+$0x0] =	vst v10;
	(ifvalue) =	ssetifvalue $0xFFFFFFFF  }
0xfd: {  	[hbm4b:s1+s16] =	stream.indirect_vreg.scatter [tilespmem:s0], [sflag:$0x2], $0x1, v8, vm0, $0x4038;
	[tilespmem:$0x11A60] =	vst v63  }
0xfe: {  	v3 =	vld [tilespmem:s29+$0xFAF0];
	_ =	sdelay $0x4  }
0xff: {  	v3 =	vshift.insert v3, v0, s21  }
0x100: {  	s0 =	simm.s32 $0x30  }
0x101: {  	[tilespmem:s0+$0x0] =	vst.msk $0x1, v3  }
0x102: {  	v3 =	vsel vm4, $0x1, v1;
	[tilespmem:$0x90] =	vst v6  }
0x103: {  	s0 =	sadd.s32 @!p1 $0xFAFF, s29;
	[tilespmem:$0xA0] =	vst v3  }
0x104: {  	[spmem:s15] =	stream.linear.scatter @!p1 [tilespmem:s0], [sflag:$0x1], $0x1, $0x38;
	[tilespmem:$0x11A60] =	vst v63  }
0x105: {  	s0 =	simm.s32 @!p1 $0x1  }
0x106: {  	v3 =	vmctz.xlane @!p1 vm4;
	_ =	swait.ge @!p1 [sflag:s0], $0x1  }
0x107: {  	(v2sf) =	vpush @!p1 v4, $0x0  }
0x108: {  	(v2sf) =	vpush @!p1 v3, $0x0;
	_ =	sdelay $0xd  }
0x109: {  	s2 =	spop @!p1 (v2sf)  }
0x10a: {  	s22 =	spop @!p1 (v2sf)  }
0x10b: {  	p2 =	sne.s32 @!p1 s28, s2;
	p3 =	slt.s32 @!p1 s22, $0xF  }
0x10c: {  	[sflag:s0] =	ssyncset.done @!p1 $0x0;
	p2 =	por p2, p1;
	p3 =	por !p3, p1  }
0x10d: {  	[sflag:s0] =	ssyncadd.s32 @!p1 $0xFFFFFFFF;
	v3 =	vimm.s32 @!p2 $0xFFFFFFFF;
	s22 =	simm.s32 @p3 $0xF  }
0x10e: {  	[tilespmem:$0x80] =	vst @!p2 v3;
	s2 =	sadd.s32 @!p1 $0x90, s22  }
0x10f: {  	[spmem:s3] =	stream.linear.scatter @!p1 [tilespmem:s2], [sflag:$0x1], $0x1, $0x38;
	[tilespmem:$0x11A60] =	vst v63  }
0x110: {  	_ =	swait.ge @!p1 [sflag:s0], $0x1  }
0x111: {  	[sflag:s0] =	ssyncset.done @!p1 $0x0  }
0x112: {  	s2 =	simm.s32 @!p1 $0x80;
	[sflag:s0] =	ssyncadd.s32 @!p1 $0xFFFFFFFF  }
0x113: {  	[spmem:s13] =	stream.linear.scatter @!p1 [tilespmem:s2], [sflag:$0x1], $0x1, $0x38;
	[tilespmem:$0x11A60] =	vst v63  }
0x114: {  	_ =	swait.ge @!p1 [sflag:s0], $0x1  }
0x115: {  	[sflag:s0] =	ssyncset.done @!p1 $0x0  }
0x116: {  	[sflag:s0] =	ssyncadd.s32 @!p1 $0xFFFFFFFF;
	(ifvalue) =	ssetifvalue $0xFFFFFFFF;
	v3 =	vld [tilespmem:s25+$0x10];
	_ =	sdelay $0x3  }
.Ltmp12:
0x117: {  	_ = 	snop;
	(pc) =	sbr.rel .LBB3_9-.Ltmp12, $3  }
0x118: {  	_ =	sdelay $0x1  }
0x119: {  	(ifvalue) =	ssetifvalue $0xFFFFFFFF  }
0x11a: {  	[hbm4b:s1+s16] =	stream.indirect_vreg.scatter [tilespmem:s26], [sflag:$0x9], $0x1, v3, vm0, $0x4038;
	[tilespmem:$0x11A60] =	vst v63  }
.LBB3_10:
0x11b: {  	_ =	sfence.sel $0x180000  }
0x11c: {  	s0 =	simm.s32 $0x7;
	[bflag:$0x0] =	sbarrier.arrive $0xFFFF  }
0x11d: {  	s26 =	simm.s32 $0x8;
	[sflag:s0] =	ssyncpa.u1 $0x1  }
0x11e: {  	s28 =	simm.s32 $0x9;
	[sflag:s26] =	ssyncpa.u1 $0x1  }
0x11f: {  	[sflag:s28] =	ssyncpa.u1 $0x1  }
0x120: {  	_ =	sfence.stream.spmem  }
0x121: {  	s29 =	simm.s32 $0x3;
	[bflag:$0x0] =	sbarrier.arrive $0xFFFF  }
0x122: {  	s30 =	simm.s32 $0x4;
	[sflag:s29] =	ssyncpa.u1 $0x1  }
0x123: {  	s31 =	simm.s32 $0x3C;
	s2 =	stileid.u32;
	[sflag:s30] =	ssyncpa.u1 $0x1  }
0x124: {  	p0 =	sne.s32 s2, $0x0;
	[sflag:s31] =	ssyncpa.u1 $0x1  }
0x125: {  	s0 =	simm.s32 @p0 $0x1;
	_ =	sfence @p0  }
0x126: {  	[sflag:s0] =	ssyncpa.u1 @p0 $0x1;
	s0 =	simm.s32 @p0 $0x2  }
0x127: {  	[sflag:s0] =	ssyncpa.u1 @p0 $0x1  }
0x128: {  	_ =	strace @p0 $0x90000050  }
0x129: {  	[bflag:$0x2] =	sbarrier.arrive @p0 $0xFFFF  }
0x12a: {  	_ =	shalt @p0  }
.LBB3_11:
0x12b: {  	_ =	sfence.stream.spmem;
	s0 =	simm.s32 $0x5  }
0x12c: {  	s2 =	simm.s32 $0x80;
	s3 =	simm.s32 $0xC0;
	[sflag:s0] =	ssyncpa.u1 $0x0  }
0x12d: {  	[tilespmem:s3], [sflag:$0x5] =	stream.linear.gather [spmem:s2], $0x20, $0x38;
	[tilespmem:$0x11A60] =	vst v63  }
0x12e: {  	s2 =	simm.s32 $0x0;
	s3 =	simm.s32 $0xE0  }
0x12f: {  	[tilespmem:s3], [sflag:$0x5] =	stream.linear.gather [spmem:s2], $0x20, $0x38;
	[tilespmem:$0x11A60] =	vst v63  }
.Ltmp13:
0x130: {  	_ = 	snop;
	(pc) =	sbr.rel .LBB3_12-.Ltmp13, $4  }
0x131: {  	_ =	swait.ge [sflag:s0], $0x40  }
0x132: {  	[sflag:s0] =	ssyncset.done $0x0  }
0x133: {  	s31 =	simm.s32 $0x6;
	[sflag:s0] =	ssyncadd.s32 $0xFFFFFFC0  }
0x134: {  	s4 =	simm.s32 $0x0;
	[sflag:s31] =	ssyncpa.u1 $0x0  }
.LBB3_17:
0x135: {  	p0 =	sgt.u32 s5, $0x27FF  }
0x136: {  	s0 =	sshrl.u32 @!p0 s5, $0x3  }
0x137: {  	s5 =	sand.u32 @!p0 $0x7, s5;
	s6 =	simm.s32 @!p0 $0xB0;
	s0 =	sadd.s32 @!p0 s1, s0  }
0x138: {  	[tilespmem:s6], [sflag:$0x6] =	stream.linear.gather @!p0 [hbm4b:s0+s5], $0x1, $0x38;
	[tilespmem:$0x11A60] =	vst v63  }
0x139: {  	s0 =	simm.s32 @!p0 $0x6  }
0x13a: {  	_ =	swait.ge @!p0 [sflag:s0], $0x1  }
0x13b: {  	[sflag:s0] =	ssyncset.done @!p0 $0x0  }
0x13c: {  	[sflag:s0] =	ssyncadd.s32 @!p0 $0xFFFFFFFF  }
0x13d: {  	v2 =	vmov @!p0 s4;
	v1 =	vld.msk @!p0 [tilespmem:$0xB0], $0x1;
	_ =	sdelay $0x3  }
0x13e: {  	s0 =	simm.s32 @!p0 $0xE0  }
0x13f: {  	[tilespmem:v2+s0+$0x0], v1 =	vst.idx.ret.add.f32.msk @!p0 $0x1, v1  }
0x140: {  	[tilespmem:s2+$0xC0] =	vst.msk $0x1, v0  }
0x141: {  	v0 =	vld.msk [tilespmem:s4+$0xE0], $0x1;
	_ =	sdelay $0x4  }
0x142: {  	[tilespmem:s2+$0xE0] =	vst.msk $0x1, v0;
	s2 =	sadd.s32 $0x1, s2  }
.LBB3_19:
0x143: {  	s4 =	sadd.s32 $0x1, s4  }
0x144: {  	p0 =	sne.s32 s4, $0x20  }
.Ltmp14:
0x145: {  	_ = 	snop;
	(pc) =	sbr.rel @!p0 .LBB3_20-.Ltmp14, $1  }
0x146: {  	_ =	sdelay $0x3  }
.LBB3_12:
0x147: {  	v0 =	vld.msk [tilespmem:s4+$0xC0], $0x1;
	_ =	sdelay $0x4  }
0x148: {  	(v2sf) =	vpush v0, $0x0;
	_ =	sdelay $0xe  }
0x149: {  	s5 =	spop (v2sf)  }
0x14a: {  	p0 =	seq.s32 s5, $0xFFFFFFFF  }
.Ltmp15:
0x14b: {  	_ = 	snop;
	(pc) =	sbr.rel @p0 .LBB3_19-.Ltmp15, $1  }
0x14c: {  	_ =	sdelay $0x3  }
0x14d: {  	p0 =	slt.s32 s2, $0x1  }
.Ltmp16:
0x14e: {  	_ = 	snop;
	(pc) =	sbr.rel @p0 .LBB3_17-.Ltmp16, $1  }
0x14f: {  	_ =	sdelay $0x3  }
0x150: {  	s0 =	simm.s32 $0xC0;
	p0 =	por $0x0, $0x0  }
0x151: {  	v1 =	vld.msk @!p0 [tilespmem:s0+$0x0], $0x1;
	_ =	sdelay $0x4  }
0x152: {  	(v2sf) =	vpush @!p0 v1, $0x0;
	_ =	sdelay $0xd  }
0x153: {  	p2 =	sne.s32 s2, $0x1  }
.Ltmp17:
0x154: {  	s6 =	spop @!p0 (v2sf);
	(pc) =	sbr.rel @!p2 .LBB3_16-.Ltmp17, $4  }
0x155: {  	p1 =	seq.s32 @!p0 s5, s6  }
0x156: {  	s6 =	simm.s32 $0x0;
	p1 =	por !p1, p0  }
0x157: {  	s8 =	simm.s32 $0xFFFFFFFF;
	s6 =	simm.s32 @p1 $0xFFFFFFFF  }
0x158: {  	s7 =	simm.s32 $0x1;
	s6 =	smov.u32 @p0 s8  }
.LBB3_15:
0x159: {  	s8 =	smov.u32 s6;
	p0 =	sne.s32 s6, $0xFFFFFFFF  }
0x15a: {  	s0 =	sadd.s32 $0x1, s0;
	s6 =	smov.u32 s7;
	s7 =	sadd.s32 $0x1, s7  }
0x15b: {  	p1 =	sne.s32 s2, s7;
	v1 =	vld.msk @!p0 [tilespmem:s0+$0x0], $0x1;
	_ =	sdelay $0x4  }
0x15c: {  	(v2sf) =	vpush @!p0 v1, $0x0;
	_ =	sdelay $0xe  }
.Ltmp18:
0x15d: {  	s9 =	spop @!p0 (v2sf);
	(pc) =	sbr.rel @p1 .LBB3_15-.Ltmp18, $4  }
0x15e: {  	p2 =	seq.s32 @!p0 s5, s9  }
0x15f: {  	p2 =	por !p2, p0  }
0x160: {  	s6 =	simm.s32 @p2 $0xFFFFFFFF  }
0x161: {  	s6 =	smov.u32 @p0 s8  }
.LBB3_16:
0x162: {  	p0 =	sne.s32 s6, $0xFFFFFFFF  }
.Ltmp19:
0x163: {  	_ = 	snop;
	(pc) =	sbr.rel @!p0 .LBB3_17-.Ltmp19, $1  }
0x164: {  	_ =	sdelay $0x3  }
0x165: {  	v0 =	vld.msk [tilespmem:s4+$0xE0], $0x1;
	v1 =	vmov s6  }
.Ltmp20:
0x166: {  	_ = 	snop;
	(pc) =	sbr.rel .LBB3_19-.Ltmp20, $2  }
0x167: {  	_ =	sdelay $0x2  }
0x168: {  	[tilespmem:v1+s3+$0x0], v0 =	vst.idx.ret.add.f32.msk $0x1, v0  }
.LBB3_20:
0x169: {  	p0 =	slt.s32 s2, $0x1  }
.Ltmp21:
0x16a: {  	_ = 	snop;
	(pc) =	sbr.rel @p0 .LBB3_24-.Ltmp21, $3  }
0x16b: {  	_ =	sdelay $0x1  }
0x16c: {  	s0 =	simm.s32 $0x6  }
0x16d: {  	s3 =	simm.s32 $0x0;
	[sflag:s0] =	ssyncpa.u1 $0x1  }
0x16e: {  	s0 =	simm.s32 $0xC0  }
0x16f: {  	v0 =	vld.msk [tilespmem:s0+$0x0], $0x1;
	_ =	sdelay $0x4  }
0x170: {  	(v2sf) =	vpush v0, $0x0;
	_ =	sdelay $0xe  }
0x171: {  	s2 =	sadd.s32 $0xFFFFFFFF, s2;
	s4 =	spop (v2sf)  }
0x172: {  	p1 =	sne.s32 s2, $0x0;
	p0 =	sgt.u32 s4, $0x27FF  }
.Ltmp22:
0x173: {  	s5 =	sshrl.u32 @!p0 s4, $0x3;
	(pc) =	sbr.rel @!p1 .LBB3_23-.Ltmp22, $4  }
0x174: {  	s0 =	simm.s32 $0xE0;
	s4 =	sand.u32 @!p0 $0x7, s4;
	s5 =	sadd.s32 @!p0 s1, s5  }
0x175: {  	[hbm4b:s5+s4] =	stream.linear.scatter @!p0 [tilespmem:s0], [sflag:$0x5], $0x1, $0x38;
	[tilespmem:$0x11A60] =	vst v63  }
0x176: {  	s5 =	simm.s32 $0x0  }
0x177: {  	s4 =	simm.s32 $0xC1;
	s5 =	simm.s32 @!p0 $0x4  }
.LBB3_22:
0x178: {  	v0 =	vld.msk [tilespmem:s4+$0x0], $0x1;
	s2 =	sadd.s32 $0xFFFFFFFF, s2;
	s3 =	sadd.s32 s3, s5  }
0x179: {  	p0 =	sne.s32 s2, $0x0;
	_ =	sdelay $0x3  }
0x17a: {  	(v2sf) =	vpush v0, $0x0;
	_ =	sdelay $0xe  }
.Ltmp23:
0x17b: {  	s6 =	spop (v2sf);
	(pc) =	sbr.rel @p0 .LBB3_22-.Ltmp23, $4  }
0x17c: {  	s5 =	simm.s32 $0x0;
	p1 =	sgt.u32 s6, $0x27FF  }
0x17d: {  	s0 =	sadd.s32 $0x1, s0;
	s5 =	simm.s32 @!p1 $0x4;
	s7 =	sshrl.u32 @!p1 s6, $0x3  }
0x17e: {  	s4 =	sadd.s32 $0x1, s4;
	s6 =	sand.u32 @!p1 $0x7, s6;
	s7 =	sadd.s32 @!p1 s1, s7  }
0x17f: {  	[hbm4b:s7+s6] =	stream.linear.scatter @!p1 [tilespmem:s0], [sflag:$0x5], $0x1, $0x38;
	[tilespmem:$0x11A60] =	vst v63  }
.LBB3_23:
0x180: {  	s0 =	sadd.s32 s3, s5  }
0x181: {  	s3 =	sshrl.u32 s0, $0x2  }
.LBB3_24:
0x182: {  	s0 =	simm.s32 $0x5  }
0x183: {  	_ =	swait.ge [sflag:s0], s3  }
0x184: {  	s1 =	ssub.s32 $0x0, s3;
	[sflag:s0] =	ssyncset.done $0x0  }
0x185: {  	[sflag:s0] =	ssyncadd.s32 s1  }
0x186: {  	[sflag:s0] =	ssyncpa.u1 $0x1  }
0x187: {  	s29 =	simm.s32 $0x1;
	_ =	sfence  }
0x188: {  	s30 =	simm.s32 $0x2;
	[sflag:s29] =	ssyncpa.u1 $0x1  }
0x189: {  	[sflag:s30] =	ssyncpa.u1 $0x1  }
0x18a: {  	_ =	strace $0x90000050  }
0x18b: {  	[bflag:$0x2] =	sbarrier.arrive $0xFFFF  }
0x18c: {  	s31 =	rddreg [dreg:$0x1]  }
0x18d: {  	s0 =	sadd.s32 $0x100000, s31  }
0x18e: {  	[sflag:s0] =	ssyncadd.tile.s32 $0x1;
	_ =	shalt  }
.Lfunc_end3:
_tile_overlayer_lowered:
.L_overlay_start_3:
0x18f: {  	(tag) =	ssettag $0x3  }
0x190: {  	s0 =	rddreg [dreg:$0x0];
	s2 =	stileid.u32  }
0x191: {  	s1 =	rddreg [dreg:$0x1];
	p0 =	sne.s32 s2, $0x0  }
0x192: {  	s3 =	rddreg [dreg:$0x2];
	[bflag:$0x3] =	sbarrier.arrive $0xFFFF;
	s2 =	simm.s32 @!p0 $0x1C01  }
0x193: {  	[timem:s3], [sflag:s2] =	dma.local @!p0 [hbm:s0], s1  }
0x194: {  	s0 =	simm.s32 @!p0 $0x1  }
0x195: {  	_ =	swait.ge @!p0 [sflag:s0], s1  }
0x196: {  	s1 =	ssub.s32 @!p0 $0x0, s1;
	[sflag:s0] =	ssyncset.done @!p0 $0x0  }
0x197: {  	[sflag:s0] =	ssyncadd.s32 @!p0 s1  }
0x198: {  	[bflag:$0x3] =	sbarrier.arrive $0xFFFF  }
0x199: {  	_ =	shalt  }

</sc_bundles>
